<compile_context>
chip_gen: v7x
topology: tpu7x:2x2x1
jax: 0.10.2.dev20260603
libtpu: 0.0.44.dev20260713+nightly
codegen_flags: <defaults>
</compile_context>

<pallas_src>
import functools

import jax
import jax.numpy as jnp
from jax import lax
from jax.experimental import pallas as pl
from jax.experimental.pallas import tpu as pltpu
from jax.experimental.pallas import tpu_sc as plsc

VOCAB = 100000
DIM = 16
B = 1024
L = 50

NC = 2
NS = 16
NW = NC * NS
B_PER_W = B // NW
IDX_PER_W = B_PER_W * L
GATHER_CHUNK = 128

_sc_mesh = plsc.VectorSubcoreMesh(core_axis_name="c", subcore_axis_name="s")


@functools.partial(
    pl.kernel,
    mesh=_sc_mesh,
    out_type=[
        jax.ShapeDtypeStruct((B, DIM), jnp.float32),
        jax.ShapeDtypeStruct((B, VOCAB), jnp.float32),
    ],
    scratch_types=[
        pltpu.VMEM((IDX_PER_W,), jnp.int32),
        pltpu.VMEM((IDX_PER_W, DIM), jnp.float32),
        pltpu.VMEM((B_PER_W, DIM), jnp.float32),
        pltpu.SemaphoreType.DMA,
    ],
    compiler_params=pltpu.CompilerParams(use_tc_tiling_on_sc=False),
)
def _sc_pool(idx_hbm, table_hbm, out_hbm, shell_hbm, idx_v, rows_v, u_v, sem):
    wid = lax.axis_index("s") * NC + lax.axis_index("c")
    base = wid * IDX_PER_W

    pltpu.sync_copy(idx_hbm.at[pl.ds(base, IDX_PER_W)], idx_v)

    descs = []
    for c in range(0, IDX_PER_W, GATHER_CHUNK):
        sz = min(GATHER_CHUNK, IDX_PER_W - c)
        descs.append(
            pltpu.async_copy(
                table_hbm.at[idx_v.at[pl.ds(c, sz)]],
                rows_v.at[pl.ds(c, sz)],
                sem,
            )
        )
    for d in descs:
        d.wait()

    def body(b, carry):
        off = b * L
        acc = rows_v[off, :]
        for l in range(1, L):
            acc = acc + rows_v[off + l, :]
        u_v[b, :] = acc
        return carry

    lax.fori_loop(0, B_PER_W, body, 0)

    pltpu.sync_copy(u_v, out_hbm.at[pl.ds(wid * B_PER_W, B_PER_W)])


BN = 1024
NBUF = 6
GROUP = BN * NBUF
NGRP = (VOCAB + GROUP - 1) // GROUP
FULL_BLOCKS = VOCAB // BN
TAIL = VOCAB - FULL_BLOCKS * BN
TAIL_PAD = (TAIL + 127) // 128 * 128


def _mm_body(u_ref, w_ref, shell_hbm, o_hbm, acc, sems):
    g = pl.program_id(0)

    for b in range(NBUF):
        blk = g * NBUF + b

        dst = o_hbm if b % 2 == 0 else shell_hbm

        @pl.when(jnp.logical_and(g > 0, blk - NBUF < FULL_BLOCKS))
        def _wait_prev():
            pltpu.make_async_copy(
                acc.at[b],
                dst.at[:, pl.ds((blk - NBUF) * BN, BN)],
                sems.at[b],
            ).wait()

        res = lax.dot_general(
            u_ref[...], w_ref[:, pl.ds(b * BN, BN)],
            (((1,), (0,)), ((), ())),
            preferred_element_type=jnp.float32,
        )
        acc[b] = res

        @pl.when(blk < FULL_BLOCKS)
        def _store_full():
            pltpu.make_async_copy(
                acc.at[b],
                dst.at[:, pl.ds(blk * BN, BN)],
                sems.at[b],
            ).start(priority=b % 2)

        @pl.when(blk == FULL_BLOCKS)
        def _store_tail():
            pltpu.make_async_copy(
                acc.at[b, :, pl.ds(0, TAIL_PAD)],
                dst.at[:, pl.ds(blk * BN, TAIL_PAD)],
                sems.at[b],
            ).start(priority=b % 2)

    @pl.when(g == NGRP - 1)
    def _drain():
        for b in range(NBUF):
            blk = g * NBUF + b
            dstd = o_hbm if b % 2 == 0 else shell_hbm

            @pl.when(blk < FULL_BLOCKS)
            def _w_full():
                pltpu.make_async_copy(
                    acc.at[b],
                    dstd.at[:, pl.ds(blk * BN, BN)],
                    sems.at[b],
                ).wait()

            @pl.when(blk == FULL_BLOCKS)
            def _w_tail():
                pltpu.make_async_copy(
                    acc.at[b, :, pl.ds(0, TAIL_PAD)],
                    dstd.at[:, pl.ds(blk * BN, TAIL_PAD)],
                    sems.at[b],
                ).wait()


_mm = pl.pallas_call(
    _mm_body,
    grid=(NGRP,),
    in_specs=[
        pl.BlockSpec((B, DIM), lambda g: (0, 0)),
        pl.BlockSpec((DIM, GROUP), lambda g: (0, g)),
        pl.BlockSpec(memory_space=pl.ANY),
    ],
    out_specs=pl.BlockSpec(memory_space=pl.ANY),
    out_shape=jax.ShapeDtypeStruct((B, VOCAB), jnp.float32),
    input_output_aliases={2: 0},
    scratch_shapes=[
        pltpu.VMEM((NBUF, B, BN), jnp.float32),
        pltpu.SemaphoreType.DMA((NBUF,)),
    ],
)


def kernel(input, emb_table, lin_weight):
    idx = input.reshape(-1).astype(jnp.int32)
    u, shell = _sc_pool(idx, emb_table)
    return _mm(u, lin_weight.T, shell)

# --- scband reference (transcript-rebuilt; emitter-appended) ---
"""Pipeline reference for scband-cbow-33191507264264 (READ-ONLY COPY).

The authoritative reference and input builder live on the scoring server;
editing this copy changes nothing except your own understanding.
"""

import jax, jax.numpy as jnp
import numpy as np

VOCAB = 100000
DIM = 16
B = 1024
L = 50

def setup_inputs(seed: int = 0) -> dict:
    key = jax.random.key(seed)
    k1, k2, k3 = jax.random.split(key, 3)
    idx = jax.random.randint(k1, (B, L), 0, VOCAB)
    emb_table = jax.random.normal(k2, (VOCAB, DIM), dtype=jnp.float32) * 0.02
    # nn.Embedding with padding_idx=0 initializes row 0 to zeros
    emb_table = emb_table.at[0].set(0.0)
    # nn.Linear(embedding_dim, num_embeddings, bias=False) weight shape [out, in] = [VOCAB, DIM]
    lin_weight = jax.random.normal(k3, (VOCAB, DIM), dtype=jnp.float32) * 0.02
    return {"input": idx, "emb_table": emb_table, "lin_weight": lin_weight}

def reference(input, emb_table, lin_weight):
    e = jnp.take(emb_table, input, axis=0)          # [B, L, DIM] gather
    u = e.sum(axis=1)                                # [B, DIM] sum over context window
    z = u @ lin_weight.T                             # [B, VOCAB] output logits
    return z

if __name__ == "__main__":
    import jax
    _d = setup_inputs()
    print(jax.jit(kernel)(*tuple(_d.values())))

</pallas_src>

<mosaic_0001>
#map = affine_map<(d0, d1) -> (0)>
#map1 = affine_map<(d0, d1) -> (0, 0)>
module attributes {stable_mosaic.version = 14 : i64} {
  func.func @_sc_pool(%arg0: i32, %arg1: i32, %arg2: memref<51200xi32, #tpu.memory_space<hbm>>, %arg3: memref<100000x16xf32, #tpu.memory_space<hbm>>, %arg4: memref<1024x16xf32, #tpu.memory_space<hbm>>, %arg5: memref<1024x100000xf32, #tpu.memory_space<hbm>>, %arg6: memref<1600xi32, #tpu.memory_space<vmem>>, %arg7: memref<1600x16xf32, #tpu.memory_space<vmem>>, %arg8: memref<32x16xf32, #tpu.memory_space<vmem>>, %arg9: memref<!tpu.dma_semaphore, #tpu.memory_space<semaphore_mem>>) attributes {dimension_semantics = [#tpu.dimension_semantics<core_parallel>, #tpu.dimension_semantics<subcore_parallel>], iteration_bounds = array<i64: 2, 16>, scalar_prefetch = 0 : i64, scratch_operands = 4 : i64, tpu.core_type = #tpu.core_type<sc_vector_subcore>, window_params = [{transform_indices = #map}, {transform_indices = #map1}, {transform_indices = #map1}, {transform_indices = #map1}]} {
    %mul3A = arith.constant 2 : i32
    %mul3A_0 = arith.muli %arg1, %mul3A : i32
    %add3A = arith.addi %mul3A_0, %arg0 : i32
    %mul3A_1 = arith.constant 1600 : i32
    %mul3A_2 = arith.muli %add3A, %mul3A_1 : i32
    "tpu.region"() ({
      %run_scoped3A = tpu.sem_alloc : memref<!tpu.dma_semaphore, #tpu.memory_space<semaphore_mem>>
      %dma_start3A_216 = tpu.memref_slice %arg2[%mul3A_2] : memref<51200xi32, #tpu.memory_space<hbm>> -> memref<1600xi32, #tpu.memory_space<hbm>>
      %dma_start3A_217 = tpu.memref_slice %arg2[%mul3A_2] : memref<51200xi32, #tpu.memory_space<hbm>> -> memref<1600xi32, #tpu.memory_space<hbm>>
      tpu.enqueue_dma source(%dma_start3A_217 : memref<1600xi32, #tpu.memory_space<hbm>>) target(%arg6 : memref<1600xi32, #tpu.memory_space<vmem>>) target_semaphore(%run_scoped3A : memref<!tpu.dma_semaphore, #tpu.memory_space<semaphore_mem>>)
      %dma_wait3A_218 = tpu.memref_slice %arg2[%mul3A_2] : memref<51200xi32, #tpu.memory_space<hbm>> -> memref<1600xi32, #tpu.memory_space<hbm>>
      %dma_wait3A_219 = tpu.memref_slice %arg2[%mul3A_2] : memref<51200xi32, #tpu.memory_space<hbm>> -> memref<1600xi32, #tpu.memory_space<hbm>>
      tpu.wait_dma2 semaphore(%run_scoped3A : memref<!tpu.dma_semaphore, #tpu.memory_space<semaphore_mem>>) src(%dma_wait3A_219 : memref<1600xi32, #tpu.memory_space<hbm>>) dst(%arg6 : memref<1600xi32, #tpu.memory_space<vmem>>)
      tpu.yield
    }) : () -> ()
    %dma_start3A = arith.constant 0 : i32
    %dma_start3A_3 = arith.constant 0 : i32
    %dma_start3A_4 = tpu.memref_slice %arg7[%dma_start3A, %dma_start3A_3] : memref<1600x16xf32, #tpu.memory_space<vmem>> -> memref<128x16xf32, #tpu.memory_space<vmem>>
    %dma_start3A_5 = arith.constant 0 : i32
    %dma_start3A_6 = tpu.memref_slice %arg6[%dma_start3A_5] : memref<1600xi32, #tpu.memory_space<vmem>> -> memref<128xi32, #tpu.memory_space<vmem>>
    %dma_start3A_7 = arith.constant 0 : i32
    %dma_start3A_8 = arith.constant 0 : i32
    %dma_start3A_9 = tpu.memref_slice %arg3[%dma_start3A_7, %dma_start3A_8] : memref<100000x16xf32, #tpu.memory_space<hbm>> -> memref<100000x16xf32, #tpu.memory_space<hbm>>
    tpu.enqueue_indirect_dma source(%dma_start3A_9 : memref<100000x16xf32, #tpu.memory_space<hbm>>) target(%dma_start3A_4 : memref<128x16xf32, #tpu.memory_space<vmem>>) offsets(%dma_start3A_6 : memref<128xi32, #tpu.memory_space<vmem>>) semaphore(%arg9 : memref<!tpu.dma_semaphore, #tpu.memory_space<semaphore_mem>>)
    %dma_start3A_10 = arith.constant 128 : i32
    %dma_start3A_11 = arith.constant 0 : i32
    %dma_start3A_12 = tpu.memref_slice %arg7[%dma_start3A_10, %dma_start3A_11] : memref<1600x16xf32, #tpu.memory_space<vmem>> -> memref<128x16xf32, #tpu.memory_space<vmem>>
    %dma_start3A_13 = arith.constant 128 : i32
    %dma_start3A_14 = tpu.memref_slice %arg6[%dma_start3A_13] : memref<1600xi32, #tpu.memory_space<vmem>> -> memref<128xi32, #tpu.memory_space<vmem>>
    %dma_start3A_15 = arith.constant 0 : i32
    %dma_start3A_16 = arith.constant 0 : i32
    %dma_start3A_17 = tpu.memref_slice %arg3[%dma_start3A_15, %dma_start3A_16] : memref<100000x16xf32, #tpu.memory_space<hbm>> -> memref<100000x16xf32, #tpu.memory_space<hbm>>
    tpu.enqueue_indirect_dma source(%dma_start3A_17 : memref<100000x16xf32, #tpu.memory_space<hbm>>) target(%dma_start3A_12 : memref<128x16xf32, #tpu.memory_space<vmem>>) offsets(%dma_start3A_14 : memref<128xi32, #tpu.memory_space<vmem>>) semaphore(%arg9 : memref<!tpu.dma_semaphore, #tpu.memory_space<semaphore_mem>>)
    %dma_start3A_18 = arith.constant 256 : i32
    %dma_start3A_19 = arith.constant 0 : i32
    %dma_start3A_20 = tpu.memref_slice %arg7[%dma_start3A_18, %dma_start3A_19] : memref<1600x16xf32, #tpu.memory_space<vmem>> -> memref<128x16xf32, #tpu.memory_space<vmem>>
    %dma_start3A_21 = arith.constant 256 : i32
    %dma_start3A_22 = tpu.memref_slice %arg6[%dma_start3A_21] : memref<1600xi32, #tpu.memory_space<vmem>> -> memref<128xi32, #tpu.memory_space<vmem>>
    %dma_start3A_23 = arith.constant 0 : i32
    %dma_start3A_24 = arith.constant 0 : i32
    %dma_start3A_25 = tpu.memref_slice %arg3[%dma_start3A_23, %dma_start3A_24] : memref<100000x16xf32, #tpu.memory_space<hbm>> -> memref<100000x16xf32, #tpu.memory_space<hbm>>
    tpu.enqueue_indirect_dma source(%dma_start3A_25 : memref<100000x16xf32, #tpu.memory_space<hbm>>) target(%dma_start3A_20 : memref<128x16xf32, #tpu.memory_space<vmem>>) offsets(%dma_start3A_22 : memref<128xi32, #tpu.memory_space<vmem>>) semaphore(%arg9 : memref<!tpu.dma_semaphore, #tpu.memory_space<semaphore_mem>>)
    %dma_start3A_26 = arith.constant 384 : i32
    %dma_start3A_27 = arith.constant 0 : i32
    %dma_start3A_28 = tpu.memref_slice %arg7[%dma_start3A_26, %dma_start3A_27] : memref<1600x16xf32, #tpu.memory_space<vmem>> -> memref<128x16xf32, #tpu.memory_space<vmem>>
    %dma_start3A_29 = arith.constant 384 : i32
    %dma_start3A_30 = tpu.memref_slice %arg6[%dma_start3A_29] : memref<1600xi32, #tpu.memory_space<vmem>> -> memref<128xi32, #tpu.memory_space<vmem>>
    %dma_start3A_31 = arith.constant 0 : i32
    %dma_start3A_32 = arith.constant 0 : i32
    %dma_start3A_33 = tpu.memref_slice %arg3[%dma_start3A_31, %dma_start3A_32] : memref<100000x16xf32, #tpu.memory_space<hbm>> -> memref<100000x16xf32, #tpu.memory_space<hbm>>
    tpu.enqueue_indirect_dma source(%dma_start3A_33 : memref<100000x16xf32, #tpu.memory_space<hbm>>) target(%dma_start3A_28 : memref<128x16xf32, #tpu.memory_space<vmem>>) offsets(%dma_start3A_30 : memref<128xi32, #tpu.memory_space<vmem>>) semaphore(%arg9 : memref<!tpu.dma_semaphore, #tpu.memory_space<semaphore_mem>>)
    %dma_start3A_34 = arith.constant 512 : i32
    %dma_start3A_35 = arith.constant 0 : i32
    %dma_start3A_36 = tpu.memref_slice %arg7[%dma_start3A_34, %dma_start3A_35] : memref<1600x16xf32, #tpu.memory_space<vmem>> -> memref<128x16xf32, #tpu.memory_space<vmem>>
    %dma_start3A_37 = arith.constant 512 : i32
    %dma_start3A_38 = tpu.memref_slice %arg6[%dma_start3A_37] : memref<1600xi32, #tpu.memory_space<vmem>> -> memref<128xi32, #tpu.memory_space<vmem>>
    %dma_start3A_39 = arith.constant 0 : i32
    %dma_start3A_40 = arith.constant 0 : i32
    %dma_start3A_41 = tpu.memref_slice %arg3[%dma_start3A_39, %dma_start3A_40] : memref<100000x16xf32, #tpu.memory_space<hbm>> -> memref<100000x16xf32, #tpu.memory_space<hbm>>
    tpu.enqueue_indirect_dma source(%dma_start3A_41 : memref<100000x16xf32, #tpu.memory_space<hbm>>) target(%dma_start3A_36 : memref<128x16xf32, #tpu.memory_space<vmem>>) offsets(%dma_start3A_38 : memref<128xi32, #tpu.memory_space<vmem>>) semaphore(%arg9 : memref<!tpu.dma_semaphore, #tpu.memory_space<semaphore_mem>>)
    %dma_start3A_42 = arith.constant 640 : i32
    %dma_start3A_43 = arith.constant 0 : i32
    %dma_start3A_44 = tpu.memref_slice %arg7[%dma_start3A_42, %dma_start3A_43] : memref<1600x16xf32, #tpu.memory_space<vmem>> -> memref<128x16xf32, #tpu.memory_space<vmem>>
    %dma_start3A_45 = arith.constant 640 : i32
    %dma_start3A_46 = tpu.memref_slice %arg6[%dma_start3A_45] : memref<1600xi32, #tpu.memory_space<vmem>> -> memref<128xi32, #tpu.memory_space<vmem>>
    %dma_start3A_47 = arith.constant 0 : i32
    %dma_start3A_48 = arith.constant 0 : i32
    %dma_start3A_49 = tpu.memref_slice %arg3[%dma_start3A_47, %dma_start3A_48] : memref<100000x16xf32, #tpu.memory_space<hbm>> -> memref<100000x16xf32, #tpu.memory_space<hbm>>
    tpu.enqueue_indirect_dma source(%dma_start3A_49 : memref<100000x16xf32, #tpu.memory_space<hbm>>) target(%dma_start3A_44 : memref<128x16xf32, #tpu.memory_space<vmem>>) offsets(%dma_start3A_46 : memref<128xi32, #tpu.memory_space<vmem>>) semaphore(%arg9 : memref<!tpu.dma_semaphore, #tpu.memory_space<semaphore_mem>>)
    %dma_start3A_50 = arith.constant 768 : i32
    %dma_start3A_51 = arith.constant 0 : i32
    %dma_start3A_52 = tpu.memref_slice %arg7[%dma_start3A_50, %dma_start3A_51] : memref<1600x16xf32, #tpu.memory_space<vmem>> -> memref<128x16xf32, #tpu.memory_space<vmem>>
    %dma_start3A_53 = arith.constant 768 : i32
    %dma_start3A_54 = tpu.memref_slice %arg6[%dma_start3A_53] : memref<1600xi32, #tpu.memory_space<vmem>> -> memref<128xi32, #tpu.memory_space<vmem>>
    %dma_start3A_55 = arith.constant 0 : i32
    %dma_start3A_56 = arith.constant 0 : i32
    %dma_start3A_57 = tpu.memref_slice %arg3[%dma_start3A_55, %dma_start3A_56] : memref<100000x16xf32, #tpu.memory_space<hbm>> -> memref<100000x16xf32, #tpu.memory_space<hbm>>
    tpu.enqueue_indirect_dma source(%dma_start3A_57 : memref<100000x16xf32, #tpu.memory_space<hbm>>) target(%dma_start3A_52 : memref<128x16xf32, #tpu.memory_space<vmem>>) offsets(%dma_start3A_54 : memref<128xi32, #tpu.memory_space<vmem>>) semaphore(%arg9 : memref<!tpu.dma_semaphore, #tpu.memory_space<semaphore_mem>>)
    %dma_start3A_58 = arith.constant 896 : i32
    %dma_start3A_59 = arith.constant 0 : i32
    %dma_start3A_60 = tpu.memref_slice %arg7[%dma_start3A_58, %dma_start3A_59] : memref<1600x16xf32, #tpu.memory_space<vmem>> -> memref<128x16xf32, #tpu.memory_space<vmem>>
    %dma_start3A_61 = arith.constant 896 : i32
    %dma_start3A_62 = tpu.memref_slice %arg6[%dma_start3A_61] : memref<1600xi32, #tpu.memory_space<vmem>> -> memref<128xi32, #tpu.memory_space<vmem>>
    %dma_start3A_63 = arith.constant 0 : i32
    %dma_start3A_64 = arith.constant 0 : i32
    %dma_start3A_65 = tpu.memref_slice %arg3[%dma_start3A_63, %dma_start3A_64] : memref<100000x16xf32, #tpu.memory_space<hbm>> -> memref<100000x16xf32, #tpu.memory_space<hbm>>
    tpu.enqueue_indirect_dma source(%dma_start3A_65 : memref<100000x16xf32, #tpu.memory_space<hbm>>) target(%dma_start3A_60 : memref<128x16xf32, #tpu.memory_space<vmem>>) offsets(%dma_start3A_62 : memref<128xi32, #tpu.memory_space<vmem>>) semaphore(%arg9 : memref<!tpu.dma_semaphore, #tpu.memory_space<semaphore_mem>>)
    %dma_start3A_66 = arith.constant 1024 : i32
    %dma_start3A_67 = arith.constant 0 : i32
    %dma_start3A_68 = tpu.memref_slice %arg7[%dma_start3A_66, %dma_start3A_67] : memref<1600x16xf32, #tpu.memory_space<vmem>> -> memref<128x16xf32, #tpu.memory_space<vmem>>
    %dma_start3A_69 = arith.constant 1024 : i32
    %dma_start3A_70 = tpu.memref_slice %arg6[%dma_start3A_69] : memref<1600xi32, #tpu.memory_space<vmem>> -> memref<128xi32, #tpu.memory_space<vmem>>
    %dma_start3A_71 = arith.constant 0 : i32
    %dma_start3A_72 = arith.constant 0 : i32
    %dma_start3A_73 = tpu.memref_slice %arg3[%dma_start3A_71, %dma_start3A_72] : memref<100000x16xf32, #tpu.memory_space<hbm>> -> memref<100000x16xf32, #tpu.memory_space<hbm>>
    tpu.enqueue_indirect_dma source(%dma_start3A_73 : memref<100000x16xf32, #tpu.memory_space<hbm>>) target(%dma_start3A_68 : memref<128x16xf32, #tpu.memory_space<vmem>>) offsets(%dma_start3A_70 : memref<128xi32, #tpu.memory_space<vmem>>) semaphore(%arg9 : memref<!tpu.dma_semaphore, #tpu.memory_space<semaphore_mem>>)
    %dma_start3A_74 = arith.constant 1152 : i32
    %dma_start3A_75 = arith.constant 0 : i32
    %dma_start3A_76 = tpu.memref_slice %arg7[%dma_start3A_74, %dma_start3A_75] : memref<1600x16xf32, #tpu.memory_space<vmem>> -> memref<128x16xf32, #tpu.memory_space<vmem>>
    %dma_start3A_77 = arith.constant 1152 : i32
    %dma_start3A_78 = tpu.memref_slice %arg6[%dma_start3A_77] : memref<1600xi32, #tpu.memory_space<vmem>> -> memref<128xi32, #tpu.memory_space<vmem>>
    %dma_start3A_79 = arith.constant 0 : i32
    %dma_start3A_80 = arith.constant 0 : i32
    %dma_start3A_81 = tpu.memref_slice %arg3[%dma_start3A_79, %dma_start3A_80] : memref<100000x16xf32, #tpu.memory_space<hbm>> -> memref<100000x16xf32, #tpu.memory_space<hbm>>
    tpu.enqueue_indirect_dma source(%dma_start3A_81 : memref<100000x16xf32, #tpu.memory_space<hbm>>) target(%dma_start3A_76 : memref<128x16xf32, #tpu.memory_space<vmem>>) offsets(%dma_start3A_78 : memref<128xi32, #tpu.memory_space<vmem>>) semaphore(%arg9 : memref<!tpu.dma_semaphore, #tpu.memory_space<semaphore_mem>>)
    %dma_start3A_82 = arith.constant 1280 : i32
    %dma_start3A_83 = arith.constant 0 : i32
    %dma_start3A_84 = tpu.memref_slice %arg7[%dma_start3A_82, %dma_start3A_83] : memref<1600x16xf32, #tpu.memory_space<vmem>> -> memref<128x16xf32, #tpu.memory_space<vmem>>
    %dma_start3A_85 = arith.constant 1280 : i32
    %dma_start3A_86 = tpu.memref_slice %arg6[%dma_start3A_85] : memref<1600xi32, #tpu.memory_space<vmem>> -> memref<128xi32, #tpu.memory_space<vmem>>
    %dma_start3A_87 = arith.constant 0 : i32
    %dma_start3A_88 = arith.constant 0 : i32
    %dma_start3A_89 = tpu.memref_slice %arg3[%dma_start3A_87, %dma_start3A_88] : memref<100000x16xf32, #tpu.memory_space<hbm>> -> memref<100000x16xf32, #tpu.memory_space<hbm>>
    tpu.enqueue_indirect_dma source(%dma_start3A_89 : memref<100000x16xf32, #tpu.memory_space<hbm>>) target(%dma_start3A_84 : memref<128x16xf32, #tpu.memory_space<vmem>>) offsets(%dma_start3A_86 : memref<128xi32, #tpu.memory_space<vmem>>) semaphore(%arg9 : memref<!tpu.dma_semaphore, #tpu.memory_space<semaphore_mem>>)
    %dma_start3A_90 = arith.constant 1408 : i32
    %dma_start3A_91 = arith.constant 0 : i32
    %dma_start3A_92 = tpu.memref_slice %arg7[%dma_start3A_90, %dma_start3A_91] : memref<1600x16xf32, #tpu.memory_space<vmem>> -> memref<128x16xf32, #tpu.memory_space<vmem>>
    %dma_start3A_93 = arith.constant 1408 : i32
    %dma_start3A_94 = tpu.memref_slice %arg6[%dma_start3A_93] : memref<1600xi32, #tpu.memory_space<vmem>> -> memref<128xi32, #tpu.memory_space<vmem>>
    %dma_start3A_95 = arith.constant 0 : i32
    %dma_start3A_96 = arith.constant 0 : i32
    %dma_start3A_97 = tpu.memref_slice %arg3[%dma_start3A_95, %dma_start3A_96] : memref<100000x16xf32, #tpu.memory_space<hbm>> -> memref<100000x16xf32, #tpu.memory_space<hbm>>
    tpu.enqueue_indirect_dma source(%dma_start3A_97 : memref<100000x16xf32, #tpu.memory_space<hbm>>) target(%dma_start3A_92 : memref<128x16xf32, #tpu.memory_space<vmem>>) offsets(%dma_start3A_94 : memref<128xi32, #tpu.memory_space<vmem>>) semaphore(%arg9 : memref<!tpu.dma_semaphore, #tpu.memory_space<semaphore_mem>>)
    %dma_start3A_98 = arith.constant 1536 : i32
    %dma_start3A_99 = arith.constant 0 : i32
    %dma_start3A_100 = tpu.memref_slice %arg7[%dma_start3A_98, %dma_start3A_99] : memref<1600x16xf32, #tpu.memory_space<vmem>> -> memref<64x16xf32, #tpu.memory_space<vmem>>
    %dma_start3A_101 = arith.constant 1536 : i32
    %dma_start3A_102 = tpu.memref_slice %arg6[%dma_start3A_101] : memref<1600xi32, #tpu.memory_space<vmem>> -> memref<64xi32, #tpu.memory_space<vmem>>
    %dma_start3A_103 = arith.constant 0 : i32
    %dma_start3A_104 = arith.constant 0 : i32
    %dma_start3A_105 = tpu.memref_slice %arg3[%dma_start3A_103, %dma_start3A_104] : memref<100000x16xf32, #tpu.memory_space<hbm>> -> memref<100000x16xf32, #tpu.memory_space<hbm>>
    tpu.enqueue_indirect_dma source(%dma_start3A_105 : memref<100000x16xf32, #tpu.memory_space<hbm>>) target(%dma_start3A_100 : memref<64x16xf32, #tpu.memory_space<vmem>>) offsets(%dma_start3A_102 : memref<64xi32, #tpu.memory_space<vmem>>) semaphore(%arg9 : memref<!tpu.dma_semaphore, #tpu.memory_space<semaphore_mem>>)
    %dma_wait3A = arith.constant 0 : i32
    %dma_wait3A_106 = arith.constant 0 : i32
    %dma_wait3A_107 = tpu.memref_slice %arg7[%dma_wait3A, %dma_wait3A_106] : memref<1600x16xf32, #tpu.memory_space<vmem>> -> memref<128x16xf32, #tpu.memory_space<vmem>>
    %dma_wait3A_108 = arith.constant 0 : i32
    %dma_wait3A_109 = tpu.memref_slice %arg6[%dma_wait3A_108] : memref<1600xi32, #tpu.memory_space<vmem>> -> memref<128xi32, #tpu.memory_space<vmem>>
    %dma_wait3A_110 = arith.constant 0 : i32
    %dma_wait3A_111 = arith.constant 0 : i32
    %dma_wait3A_112 = tpu.memref_slice %arg3[%dma_wait3A_110, %dma_wait3A_111] : memref<100000x16xf32, #tpu.memory_space<hbm>> -> memref<100000x16xf32, #tpu.memory_space<hbm>>
    tpu.wait_indirect_dma semaphore(%arg9 : memref<!tpu.dma_semaphore, #tpu.memory_space<semaphore_mem>>) src(%dma_wait3A_112 : memref<100000x16xf32, #tpu.memory_space<hbm>>) dst(%dma_wait3A_107 : memref<128x16xf32, #tpu.memory_space<vmem>>)
    %dma_wait3A_113 = arith.constant 128 : i32
    %dma_wait3A_114 = arith.constant 0 : i32
    %dma_wait3A_115 = tpu.memref_slice %arg7[%dma_wait3A_113, %dma_wait3A_114] : memref<1600x16xf32, #tpu.memory_space<vmem>> -> memref<128x16xf32, #tpu.memory_space<vmem>>
    %dma_wait3A_116 = arith.constant 128 : i32
    %dma_wait3A_117 = tpu.memref_slice %arg6[%dma_wait3A_116] : memref<1600xi32, #tpu.memory_space<vmem>> -> memref<128xi32, #tpu.memory_space<vmem>>
    %dma_wait3A_118 = arith.constant 0 : i32
    %dma_wait3A_119 = arith.constant 0 : i32
    %dma_wait3A_120 = tpu.memref_slice %arg3[%dma_wait3A_118, %dma_wait3A_119] : memref<100000x16xf32, #tpu.memory_space<hbm>> -> memref<100000x16xf32, #tpu.memory_space<hbm>>
    tpu.wait_indirect_dma semaphore(%arg9 : memref<!tpu.dma_semaphore, #tpu.memory_space<semaphore_mem>>) src(%dma_wait3A_120 : memref<100000x16xf32, #tpu.memory_space<hbm>>) dst(%dma_wait3A_115 : memref<128x16xf32, #tpu.memory_space<vmem>>)
    %dma_wait3A_121 = arith.constant 256 : i32
    %dma_wait3A_122 = arith.constant 0 : i32
    %dma_wait3A_123 = tpu.memref_slice %arg7[%dma_wait3A_121, %dma_wait3A_122] : memref<1600x16xf32, #tpu.memory_space<vmem>> -> memref<128x16xf32, #tpu.memory_space<vmem>>
    %dma_wait3A_124 = arith.constant 256 : i32
    %dma_wait3A_125 = tpu.memref_slice %arg6[%dma_wait3A_124] : memref<1600xi32, #tpu.memory_space<vmem>> -> memref<128xi32, #tpu.memory_space<vmem>>
    %dma_wait3A_126 = arith.constant 0 : i32
    %dma_wait3A_127 = arith.constant 0 : i32
    %dma_wait3A_128 = tpu.memref_slice %arg3[%dma_wait3A_126, %dma_wait3A_127] : memref<100000x16xf32, #tpu.memory_space<hbm>> -> memref<100000x16xf32, #tpu.memory_space<hbm>>
    tpu.wait_indirect_dma semaphore(%arg9 : memref<!tpu.dma_semaphore, #tpu.memory_space<semaphore_mem>>) src(%dma_wait3A_128 : memref<100000x16xf32, #tpu.memory_space<hbm>>) dst(%dma_wait3A_123 : memref<128x16xf32, #tpu.memory_space<vmem>>)
    %dma_wait3A_129 = arith.constant 384 : i32
    %dma_wait3A_130 = arith.constant 0 : i32
    %dma_wait3A_131 = tpu.memref_slice %arg7[%dma_wait3A_129, %dma_wait3A_130] : memref<1600x16xf32, #tpu.memory_space<vmem>> -> memref<128x16xf32, #tpu.memory_space<vmem>>
    %dma_wait3A_132 = arith.constant 384 : i32
    %dma_wait3A_133 = tpu.memref_slice %arg6[%dma_wait3A_132] : memref<1600xi32, #tpu.memory_space<vmem>> -> memref<128xi32, #tpu.memory_space<vmem>>
    %dma_wait3A_134 = arith.constant 0 : i32
    %dma_wait3A_135 = arith.constant 0 : i32
    %dma_wait3A_136 = tpu.memref_slice %arg3[%dma_wait3A_134, %dma_wait3A_135] : memref<100000x16xf32, #tpu.memory_space<hbm>> -> memref<100000x16xf32, #tpu.memory_space<hbm>>
    tpu.wait_indirect_dma semaphore(%arg9 : memref<!tpu.dma_semaphore, #tpu.memory_space<semaphore_mem>>) src(%dma_wait3A_136 : memref<100000x16xf32, #tpu.memory_space<hbm>>) dst(%dma_wait3A_131 : memref<128x16xf32, #tpu.memory_space<vmem>>)
    %dma_wait3A_137 = arith.constant 512 : i32
    %dma_wait3A_138 = arith.constant 0 : i32
    %dma_wait3A_139 = tpu.memref_slice %arg7[%dma_wait3A_137, %dma_wait3A_138] : memref<1600x16xf32, #tpu.memory_space<vmem>> -> memref<128x16xf32, #tpu.memory_space<vmem>>
    %dma_wait3A_140 = arith.constant 512 : i32
    %dma_wait3A_141 = tpu.memref_slice %arg6[%dma_wait3A_140] : memref<1600xi32, #tpu.memory_space<vmem>> -> memref<128xi32, #tpu.memory_space<vmem>>
    %dma_wait3A_142 = arith.constant 0 : i32
    %dma_wait3A_143 = arith.constant 0 : i32
    %dma_wait3A_144 = tpu.memref_slice %arg3[%dma_wait3A_142, %dma_wait3A_143] : memref<100000x16xf32, #tpu.memory_space<hbm>> -> memref<100000x16xf32, #tpu.memory_space<hbm>>
    tpu.wait_indirect_dma semaphore(%arg9 : memref<!tpu.dma_semaphore, #tpu.memory_space<semaphore_mem>>) src(%dma_wait3A_144 : memref<100000x16xf32, #tpu.memory_space<hbm>>) dst(%dma_wait3A_139 : memref<128x16xf32, #tpu.memory_space<vmem>>)
    %dma_wait3A_145 = arith.constant 640 : i32
    %dma_wait3A_146 = arith.constant 0 : i32
    %dma_wait3A_147 = tpu.memref_slice %arg7[%dma_wait3A_145, %dma_wait3A_146] : memref<1600x16xf32, #tpu.memory_space<vmem>> -> memref<128x16xf32, #tpu.memory_space<vmem>>
    %dma_wait3A_148 = arith.constant 640 : i32
    %dma_wait3A_149 = tpu.memref_slice %arg6[%dma_wait3A_148] : memref<1600xi32, #tpu.memory_space<vmem>> -> memref<128xi32, #tpu.memory_space<vmem>>
    %dma_wait3A_150 = arith.constant 0 : i32
    %dma_wait3A_151 = arith.constant 0 : i32
    %dma_wait3A_152 = tpu.memref_slice %arg3[%dma_wait3A_150, %dma_wait3A_151] : memref<100000x16xf32, #tpu.memory_space<hbm>> -> memref<100000x16xf32, #tpu.memory_space<hbm>>
    tpu.wait_indirect_dma semaphore(%arg9 : memref<!tpu.dma_semaphore, #tpu.memory_space<semaphore_mem>>) src(%dma_wait3A_152 : memref<100000x16xf32, #tpu.memory_space<hbm>>) dst(%dma_wait3A_147 : memref<128x16xf32, #tpu.memory_space<vmem>>)
    %dma_wait3A_153 = arith.constant 768 : i32
    %dma_wait3A_154 = arith.constant 0 : i32
    %dma_wait3A_155 = tpu.memref_slice %arg7[%dma_wait3A_153, %dma_wait3A_154] : memref<1600x16xf32, #tpu.memory_space<vmem>> -> memref<128x16xf32, #tpu.memory_space<vmem>>
    %dma_wait3A_156 = arith.constant 768 : i32
    %dma_wait3A_157 = tpu.memref_slice %arg6[%dma_wait3A_156] : memref<1600xi32, #tpu.memory_space<vmem>> -> memref<128xi32, #tpu.memory_space<vmem>>
    %dma_wait3A_158 = arith.constant 0 : i32
    %dma_wait3A_159 = arith.constant 0 : i32
    %dma_wait3A_160 = tpu.memref_slice %arg3[%dma_wait3A_158, %dma_wait3A_159] : memref<100000x16xf32, #tpu.memory_space<hbm>> -> memref<100000x16xf32, #tpu.memory_space<hbm>>
    tpu.wait_indirect_dma semaphore(%arg9 : memref<!tpu.dma_semaphore, #tpu.memory_space<semaphore_mem>>) src(%dma_wait3A_160 : memref<100000x16xf32, #tpu.memory_space<hbm>>) dst(%dma_wait3A_155 : memref<128x16xf32, #tpu.memory_space<vmem>>)
    %dma_wait3A_161 = arith.constant 896 : i32
    %dma_wait3A_162 = arith.constant 0 : i32
    %dma_wait3A_163 = tpu.memref_slice %arg7[%dma_wait3A_161, %dma_wait3A_162] : memref<1600x16xf32, #tpu.memory_space<vmem>> -> memref<128x16xf32, #tpu.memory_space<vmem>>
    %dma_wait3A_164 = arith.constant 896 : i32
    %dma_wait3A_165 = tpu.memref_slice %arg6[%dma_wait3A_164] : memref<1600xi32, #tpu.memory_space<vmem>> -> memref<128xi32, #tpu.memory_space<vmem>>
    %dma_wait3A_166 = arith.constant 0 : i32
    %dma_wait3A_167 = arith.constant 0 : i32
    %dma_wait3A_168 = tpu.memref_slice %arg3[%dma_wait3A_166, %dma_wait3A_167] : memref<100000x16xf32, #tpu.memory_space<hbm>> -> memref<100000x16xf32, #tpu.memory_space<hbm>>
    tpu.wait_indirect_dma semaphore(%arg9 : memref<!tpu.dma_semaphore, #tpu.memory_space<semaphore_mem>>) src(%dma_wait3A_168 : memref<100000x16xf32, #tpu.memory_space<hbm>>) dst(%dma_wait3A_163 : memref<128x16xf32, #tpu.memory_space<vmem>>)
    %dma_wait3A_169 = arith.constant 1024 : i32
    %dma_wait3A_170 = arith.constant 0 : i32
    %dma_wait3A_171 = tpu.memref_slice %arg7[%dma_wait3A_169, %dma_wait3A_170] : memref<1600x16xf32, #tpu.memory_space<vmem>> -> memref<128x16xf32, #tpu.memory_space<vmem>>
    %dma_wait3A_172 = arith.constant 1024 : i32
    %dma_wait3A_173 = tpu.memref_slice %arg6[%dma_wait3A_172] : memref<1600xi32, #tpu.memory_space<vmem>> -> memref<128xi32, #tpu.memory_space<vmem>>
    %dma_wait3A_174 = arith.constant 0 : i32
    %dma_wait3A_175 = arith.constant 0 : i32
    %dma_wait3A_176 = tpu.memref_slice %arg3[%dma_wait3A_174, %dma_wait3A_175] : memref<100000x16xf32, #tpu.memory_space<hbm>> -> memref<100000x16xf32, #tpu.memory_space<hbm>>
    tpu.wait_indirect_dma semaphore(%arg9 : memref<!tpu.dma_semaphore, #tpu.memory_space<semaphore_mem>>) src(%dma_wait3A_176 : memref<100000x16xf32, #tpu.memory_space<hbm>>) dst(%dma_wait3A_171 : memref<128x16xf32, #tpu.memory_space<vmem>>)
    %dma_wait3A_177 = arith.constant 1152 : i32
    %dma_wait3A_178 = arith.constant 0 : i32
    %dma_wait3A_179 = tpu.memref_slice %arg7[%dma_wait3A_177, %dma_wait3A_178] : memref<1600x16xf32, #tpu.memory_space<vmem>> -> memref<128x16xf32, #tpu.memory_space<vmem>>
    %dma_wait3A_180 = arith.constant 1152 : i32
    %dma_wait3A_181 = tpu.memref_slice %arg6[%dma_wait3A_180] : memref<1600xi32, #tpu.memory_space<vmem>> -> memref<128xi32, #tpu.memory_space<vmem>>
    %dma_wait3A_182 = arith.constant 0 : i32
    %dma_wait3A_183 = arith.constant 0 : i32
    %dma_wait3A_184 = tpu.memref_slice %arg3[%dma_wait3A_182, %dma_wait3A_183] : memref<100000x16xf32, #tpu.memory_space<hbm>> -> memref<100000x16xf32, #tpu.memory_space<hbm>>
    tpu.wait_indirect_dma semaphore(%arg9 : memref<!tpu.dma_semaphore, #tpu.memory_space<semaphore_mem>>) src(%dma_wait3A_184 : memref<100000x16xf32, #tpu.memory_space<hbm>>) dst(%dma_wait3A_179 : memref<128x16xf32, #tpu.memory_space<vmem>>)
    %dma_wait3A_185 = arith.constant 1280 : i32
    %dma_wait3A_186 = arith.constant 0 : i32
    %dma_wait3A_187 = tpu.memref_slice %arg7[%dma_wait3A_185, %dma_wait3A_186] : memref<1600x16xf32, #tpu.memory_space<vmem>> -> memref<128x16xf32, #tpu.memory_space<vmem>>
    %dma_wait3A_188 = arith.constant 1280 : i32
    %dma_wait3A_189 = tpu.memref_slice %arg6[%dma_wait3A_188] : memref<1600xi32, #tpu.memory_space<vmem>> -> memref<128xi32, #tpu.memory_space<vmem>>
    %dma_wait3A_190 = arith.constant 0 : i32
    %dma_wait3A_191 = arith.constant 0 : i32
    %dma_wait3A_192 = tpu.memref_slice %arg3[%dma_wait3A_190, %dma_wait3A_191] : memref<100000x16xf32, #tpu.memory_space<hbm>> -> memref<100000x16xf32, #tpu.memory_space<hbm>>
    tpu.wait_indirect_dma semaphore(%arg9 : memref<!tpu.dma_semaphore, #tpu.memory_space<semaphore_mem>>) src(%dma_wait3A_192 : memref<100000x16xf32, #tpu.memory_space<hbm>>) dst(%dma_wait3A_187 : memref<128x16xf32, #tpu.memory_space<vmem>>)
    %dma_wait3A_193 = arith.constant 1408 : i32
    %dma_wait3A_194 = arith.constant 0 : i32
    %dma_wait3A_195 = tpu.memref_slice %arg7[%dma_wait3A_193, %dma_wait3A_194] : memref<1600x16xf32, #tpu.memory_space<vmem>> -> memref<128x16xf32, #tpu.memory_space<vmem>>
    %dma_wait3A_196 = arith.constant 1408 : i32
    %dma_wait3A_197 = tpu.memref_slice %arg6[%dma_wait3A_196] : memref<1600xi32, #tpu.memory_space<vmem>> -> memref<128xi32, #tpu.memory_space<vmem>>
    %dma_wait3A_198 = arith.constant 0 : i32
    %dma_wait3A_199 = arith.constant 0 : i32
    %dma_wait3A_200 = tpu.memref_slice %arg3[%dma_wait3A_198, %dma_wait3A_199] : memref<100000x16xf32, #tpu.memory_space<hbm>> -> memref<100000x16xf32, #tpu.memory_space<hbm>>
    tpu.wait_indirect_dma semaphore(%arg9 : memref<!tpu.dma_semaphore, #tpu.memory_space<semaphore_mem>>) src(%dma_wait3A_200 : memref<100000x16xf32, #tpu.memory_space<hbm>>) dst(%dma_wait3A_195 : memref<128x16xf32, #tpu.memory_space<vmem>>)
    %dma_wait3A_201 = arith.constant 1536 : i32
    %dma_wait3A_202 = arith.constant 0 : i32
    %dma_wait3A_203 = tpu.memref_slice %arg7[%dma_wait3A_201, %dma_wait3A_202] : memref<1600x16xf32, #tpu.memory_space<vmem>> -> memref<64x16xf32, #tpu.memory_space<vmem>>
    %dma_wait3A_204 = arith.constant 1536 : i32
    %dma_wait3A_205 = tpu.memref_slice %arg6[%dma_wait3A_204] : memref<1600xi32, #tpu.memory_space<vmem>> -> memref<64xi32, #tpu.memory_space<vmem>>
    %dma_wait3A_206 = arith.constant 0 : i32
    %dma_wait3A_207 = arith.constant 0 : i32
    %dma_wait3A_208 = tpu.memref_slice %arg3[%dma_wait3A_206, %dma_wait3A_207] : memref<100000x16xf32, #tpu.memory_space<hbm>> -> memref<100000x16xf32, #tpu.memory_space<hbm>>
    tpu.wait_indirect_dma semaphore(%arg9 : memref<!tpu.dma_semaphore, #tpu.memory_space<semaphore_mem>>) src(%dma_wait3A_208 : memref<100000x16xf32, #tpu.memory_space<hbm>>) dst(%dma_wait3A_203 : memref<64x16xf32, #tpu.memory_space<vmem>>)
    %scan3A = arith.constant 0 : i32
    %scan3A_209 = arith.constant 0 : i32
    %scan3A_210 = arith.constant 32 : i32
    %scan3A_211 = arith.addi %scan3A_209, %scan3A_210 : i32
    %scan3A_212 = arith.constant 1 : i32
    scf.for %scan3A_216 = %scan3A_209 to %scan3A_211 step %scan3A_212  : i32 {
      %mul3A_217 = arith.constant 50 : i32
      %mul3A_218 = arith.muli %scan3A_216, %mul3A_217 : i32
      %get3A = arith.index_cast %mul3A_218 : i32 to index
      %get3A_219 = arith.constant 0 : index
      %get3A_220 = tpu.vector_load %arg7[%get3A, %get3A_219] {strides = array<i32>} : memref<1600x16xf32, #tpu.memory_space<vmem>>, vector<1x16xf32>,
      %get3A_221 = vector.shape_cast %get3A_220 : vector<1x16xf32> to vector<16xf32>
      %add3A_222 = arith.constant 1 : i32
      %add3A_223 = arith.addi %mul3A_218, %add3A_222 : i32
      %get3A_224 = arith.index_cast %add3A_223 : i32 to index
      %get3A_225 = arith.constant 0 : index
      %get3A_226 = tpu.vector_load %arg7[%get3A_224, %get3A_225] {strides = array<i32>} : memref<1600x16xf32, #tpu.memory_space<vmem>>, vector<1x16xf32>,
      %get3A_227 = vector.shape_cast %get3A_226 : vector<1x16xf32> to vector<16xf32>
      %add3A_228 = arith.addf %get3A_221, %get3A_227 : vector<16xf32>
      %add3A_229 = arith.constant 2 : i32
      %add3A_230 = arith.addi %mul3A_218, %add3A_229 : i32
      %get3A_231 = arith.index_cast %add3A_230 : i32 to index
      %get3A_232 = arith.constant 0 : index
      %get3A_233 = tpu.vector_load %arg7[%get3A_231, %get3A_232] {strides = array<i32>} : memref<1600x16xf32, #tpu.memory_space<vmem>>, vector<1x16xf32>,
      %get3A_234 = vector.shape_cast %get3A_233 : vector<1x16xf32> to vector<16xf32>
      %add3A_235 = arith.addf %add3A_228, %get3A_234 : vector<16xf32>
      %add3A_236 = arith.constant 3 : i32
      %add3A_237 = arith.addi %mul3A_218, %add3A_236 : i32
      %get3A_238 = arith.index_cast %add3A_237 : i32 to index
      %get3A_239 = arith.constant 0 : index
      %get3A_240 = tpu.vector_load %arg7[%get3A_238, %get3A_239] {strides = array<i32>} : memref<1600x16xf32, #tpu.memory_space<vmem>>, vector<1x16xf32>,
      %get3A_241 = vector.shape_cast %get3A_240 : vector<1x16xf32> to vector<16xf32>
      %add3A_242 = arith.addf %add3A_235, %get3A_241 : vector<16xf32>
      %add3A_243 = arith.constant 4 : i32
      %add3A_244 = arith.addi %mul3A_218, %add3A_243 : i32
      %get3A_245 = arith.index_cast %add3A_244 : i32 to index
      %get3A_246 = arith.constant 0 : index
      %get3A_247 = tpu.vector_load %arg7[%get3A_245, %get3A_246] {strides = array<i32>} : memref<1600x16xf32, #tpu.memory_space<vmem>>, vector<1x16xf32>,
      %get3A_248 = vector.shape_cast %get3A_247 : vector<1x16xf32> to vector<16xf32>
      %add3A_249 = arith.addf %add3A_242, %get3A_248 : vector<16xf32>
      %add3A_250 = arith.constant 5 : i32
      %add3A_251 = arith.addi %mul3A_218, %add3A_250 : i32
      %get3A_252 = arith.index_cast %add3A_251 : i32 to index
      %get3A_253 = arith.constant 0 : index
      %get3A_254 = tpu.vector_load %arg7[%get3A_252, %get3A_253] {strides = array<i32>} : memref<1600x16xf32, #tpu.memory_space<vmem>>, vector<1x16xf32>,
      %get3A_255 = vector.shape_cast %get3A_254 : vector<1x16xf32> to vector<16xf32>
      %add3A_256 = arith.addf %add3A_249, %get3A_255 : vector<16xf32>
      %add3A_257 = arith.constant 6 : i32
      %add3A_258 = arith.addi %mul3A_218, %add3A_257 : i32
      %get3A_259 = arith.index_cast %add3A_258 : i32 to index
      %get3A_260 = arith.constant 0 : index
      %get3A_261 = tpu.vector_load %arg7[%get3A_259, %get3A_260] {strides = array<i32>} : memref<1600x16xf32, #tpu.memory_space<vmem>>, vector<1x16xf32>,
      %get3A_262 = vector.shape_cast %get3A_261 : vector<1x16xf32> to vector<16xf32>
      %add3A_263 = arith.addf %add3A_256, %get3A_262 : vector<16xf32>
      %add3A_264 = arith.constant 7 : i32
      %add3A_265 = arith.addi %mul3A_218, %add3A_264 : i32
      %get3A_266 = arith.index_cast %add3A_265 : i32 to index
      %get3A_267 = arith.constant 0 : index
      %get3A_268 = tpu.vector_load %arg7[%get3A_266, %get3A_267] {strides = array<i32>} : memref<1600x16xf32, #tpu.memory_space<vmem>>, vector<1x16xf32>,
      %get3A_269 = vector.shape_cast %get3A_268 : vector<1x16xf32> to vector<16xf32>
      %add3A_270 = arith.addf %add3A_263, %get3A_269 : vector<16xf32>
      %add3A_271 = arith.constant 8 : i32
      %add3A_272 = arith.addi %mul3A_218, %add3A_271 : i32
      %get3A_273 = arith.index_cast %add3A_272 : i32 to index
      %get3A_274 = arith.constant 0 : index
      %get3A_275 = tpu.vector_load %arg7[%get3A_273, %get3A_274] {strides = array<i32>} : memref<1600x16xf32, #tpu.memory_space<vmem>>, vector<1x16xf32>,
      %get3A_276 = vector.shape_cast %get3A_275 : vector<1x16xf32> to vector<16xf32>
      %add3A_277 = arith.addf %add3A_270, %get3A_276 : vector<16xf32>
      %add3A_278 = arith.constant 9 : i32
      %add3A_279 = arith.addi %mul3A_218, %add3A_278 : i32
      %get3A_280 = arith.index_cast %add3A_279 : i32 to index
      %get3A_281 = arith.constant 0 : index
      %get3A_282 = tpu.vector_load %arg7[%get3A_280, %get3A_281] {strides = array<i32>} : memref<1600x16xf32, #tpu.memory_space<vmem>>, vector<1x16xf32>,
      %get3A_283 = vector.shape_cast %get3A_282 : vector<1x16xf32> to vector<16xf32>
      %add3A_284 = arith.addf %add3A_277, %get3A_283 : vector<16xf32>
      %add3A_285 = arith.constant 10 : i32
      %add3A_286 = arith.addi %mul3A_218, %add3A_285 : i32
      %get3A_287 = arith.index_cast %add3A_286 : i32 to index
      %get3A_288 = arith.constant 0 : index
      %get3A_289 = tpu.vector_load %arg7[%get3A_287, %get3A_288] {strides = array<i32>} : memref<1600x16xf32, #tpu.memory_space<vmem>>, vector<1x16xf32>,
      %get3A_290 = vector.shape_cast %get3A_289 : vector<1x16xf32> to vector<16xf32>
      %add3A_291 = arith.addf %add3A_284, %get3A_290 : vector<16xf32>
      %add3A_292 = arith.constant 11 : i32
      %add3A_293 = arith.addi %mul3A_218, %add3A_292 : i32
      %get3A_294 = arith.index_cast %add3A_293 : i32 to index
      %get3A_295 = arith.constant 0 : index
      %get3A_296 = tpu.vector_load %arg7[%get3A_294, %get3A_295] {strides = array<i32>} : memref<1600x16xf32, #tpu.memory_space<vmem>>, vector<1x16xf32>,
      %get3A_297 = vector.shape_cast %get3A_296 : vector<1x16xf32> to vector<16xf32>
      %add3A_298 = arith.addf %add3A_291, %get3A_297 : vector<16xf32>
      %add3A_299 = arith.constant 12 : i32
      %add3A_300 = arith.addi %mul3A_218, %add3A_299 : i32
      %get3A_301 = arith.index_cast %add3A_300 : i32 to index
      %get3A_302 = arith.constant 0 : index
      %get3A_303 = tpu.vector_load %arg7[%get3A_301, %get3A_302] {strides = array<i32>} : memref<1600x16xf32, #tpu.memory_space<vmem>>, vector<1x16xf32>,
      %get3A_304 = vector.shape_cast %get3A_303 : vector<1x16xf32> to vector<16xf32>
      %add3A_305 = arith.addf %add3A_298, %get3A_304 : vector<16xf32>
      %add3A_306 = arith.constant 13 : i32
      %add3A_307 = arith.addi %mul3A_218, %add3A_306 : i32
      %get3A_308 = arith.index_cast %add3A_307 : i32 to index
      %get3A_309 = arith.constant 0 : index
      %get3A_310 = tpu.vector_load %arg7[%get3A_308, %get3A_309] {strides = array<i32>} : memref<1600x16xf32, #tpu.memory_space<vmem>>, vector<1x16xf32>,
      %get3A_311 = vector.shape_cast %get3A_310 : vector<1x16xf32> to vector<16xf32>
      %add3A_312 = arith.addf %add3A_305, %get3A_311 : vector<16xf32>
      %add3A_313 = arith.constant 14 : i32
      %add3A_314 = arith.addi %mul3A_218, %add3A_313 : i32
      %get3A_315 = arith.index_cast %add3A_314 : i32 to index
      %get3A_316 = arith.constant 0 : index
      %get3A_317 = tpu.vector_load %arg7[%get3A_315, %get3A_316] {strides = array<i32>} : memref<1600x16xf32, #tpu.memory_space<vmem>>, vector<1x16xf32>,
      %get3A_318 = vector.shape_cast %get3A_317 : vector<1x16xf32> to vector<16xf32>
      %add3A_319 = arith.addf %add3A_312, %get3A_318 : vector<16xf32>
      %add3A_320 = arith.constant 15 : i32
      %add3A_321 = arith.addi %mul3A_218, %add3A_320 : i32
      %get3A_322 = arith.index_cast %add3A_321 : i32 to index
      %get3A_323 = arith.constant 0 : index
      %get3A_324 = tpu.vector_load %arg7[%get3A_322, %get3A_323] {strides = array<i32>} : memref<1600x16xf32, #tpu.memory_space<vmem>>, vector<1x16xf32>,
      %get3A_325 = vector.shape_cast %get3A_324 : vector<1x16xf32> to vector<16xf32>
      %add3A_326 = arith.addf %add3A_319, %get3A_325 : vector<16xf32>
      %add3A_327 = arith.constant 16 : i32
      %add3A_328 = arith.addi %mul3A_218, %add3A_327 : i32
      %get3A_329 = arith.index_cast %add3A_328 : i32 to index
      %get3A_330 = arith.constant 0 : index
      %get3A_331 = tpu.vector_load %arg7[%get3A_329, %get3A_330] {strides = array<i32>} : memref<1600x16xf32, #tpu.memory_space<vmem>>, vector<1x16xf32>,
      %get3A_332 = vector.shape_cast %get3A_331 : vector<1x16xf32> to vector<16xf32>
      %add3A_333 = arith.addf %add3A_326, %get3A_332 : vector<16xf32>
      %add3A_334 = arith.constant 17 : i32
      %add3A_335 = arith.addi %mul3A_218, %add3A_334 : i32
      %get3A_336 = arith.index_cast %add3A_335 : i32 to index
      %get3A_337 = arith.constant 0 : index
      %get3A_338 = tpu.vector_load %arg7[%get3A_336, %get3A_337] {strides = array<i32>} : memref<1600x16xf32, #tpu.memory_space<vmem>>, vector<1x16xf32>,
      %get3A_339 = vector.shape_cast %get3A_338 : vector<1x16xf32> to vector<16xf32>
      %add3A_340 = arith.addf %add3A_333, %get3A_339 : vector<16xf32>
      %add3A_341 = arith.constant 18 : i32
      %add3A_342 = arith.addi %mul3A_218, %add3A_341 : i32
      %get3A_343 = arith.index_cast %add3A_342 : i32 to index
      %get3A_344 = arith.constant 0 : index
      %get3A_345 = tpu.vector_load %arg7[%get3A_343, %get3A_344] {strides = array<i32>} : memref<1600x16xf32, #tpu.memory_space<vmem>>, vector<1x16xf32>,
      %get3A_346 = vector.shape_cast %get3A_345 : vector<1x16xf32> to vector<16xf32>
      %add3A_347 = arith.addf %add3A_340, %get3A_346 : vector<16xf32>
      %add3A_348 = arith.constant 19 : i32
      %add3A_349 = arith.addi %mul3A_218, %add3A_348 : i32
      %get3A_350 = arith.index_cast %add3A_349 : i32 to index
      %get3A_351 = arith.constant 0 : index
      %get3A_352 = tpu.vector_load %arg7[%get3A_350, %get3A_351] {strides = array<i32>} : memref<1600x16xf32, #tpu.memory_space<vmem>>, vector<1x16xf32>,
      %get3A_353 = vector.shape_cast %get3A_352 : vector<1x16xf32> to vector<16xf32>
      %add3A_354 = arith.addf %add3A_347, %get3A_353 : vector<16xf32>
      %add3A_355 = arith.constant 20 : i32
      %add3A_356 = arith.addi %mul3A_218, %add3A_355 : i32
      %get3A_357 = arith.index_cast %add3A_356 : i32 to index
      %get3A_358 = arith.constant 0 : index
      %get3A_359 = tpu.vector_load %arg7[%get3A_357, %get3A_358] {strides = array<i32>} : memref<1600x16xf32, #tpu.memory_space<vmem>>, vector<1x16xf32>,
      %get3A_360 = vector.shape_cast %get3A_359 : vector<1x16xf32> to vector<16xf32>
      %add3A_361 = arith.addf %add3A_354, %get3A_360 : vector<16xf32>
      %add3A_362 = arith.constant 21 : i32
      %add3A_363 = arith.addi %mul3A_218, %add3A_362 : i32
      %get3A_364 = arith.index_cast %add3A_363 : i32 to index
      %get3A_365 = arith.constant 0 : index
      %get3A_366 = tpu.vector_load %arg7[%get3A_364, %get3A_365] {strides = array<i32>} : memref<1600x16xf32, #tpu.memory_space<vmem>>, vector<1x16xf32>,
      %get3A_367 = vector.shape_cast %get3A_366 : vector<1x16xf32> to vector<16xf32>
      %add3A_368 = arith.addf %add3A_361, %get3A_367 : vector<16xf32>
      %add3A_369 = arith.constant 22 : i32
      %add3A_370 = arith.addi %mul3A_218, %add3A_369 : i32
      %get3A_371 = arith.index_cast %add3A_370 : i32 to index
      %get3A_372 = arith.constant 0 : index
      %get3A_373 = tpu.vector_load %arg7[%get3A_371, %get3A_372] {strides = array<i32>} : memref<1600x16xf32, #tpu.memory_space<vmem>>, vector<1x16xf32>,
      %get3A_374 = vector.shape_cast %get3A_373 : vector<1x16xf32> to vector<16xf32>
      %add3A_375 = arith.addf %add3A_368, %get3A_374 : vector<16xf32>
      %add3A_376 = arith.constant 23 : i32
      %add3A_377 = arith.addi %mul3A_218, %add3A_376 : i32
      %get3A_378 = arith.index_cast %add3A_377 : i32 to index
      %get3A_379 = arith.constant 0 : index
      %get3A_380 = tpu.vector_load %arg7[%get3A_378, %get3A_379] {strides = array<i32>} : memref<1600x16xf32, #tpu.memory_space<vmem>>, vector<1x16xf32>,
      %get3A_381 = vector.shape_cast %get3A_380 : vector<1x16xf32> to vector<16xf32>
      %add3A_382 = arith.addf %add3A_375, %get3A_381 : vector<16xf32>
      %add3A_383 = arith.constant 24 : i32
      %add3A_384 = arith.addi %mul3A_218, %add3A_383 : i32
      %get3A_385 = arith.index_cast %add3A_384 : i32 to index
      %get3A_386 = arith.constant 0 : index
      %get3A_387 = tpu.vector_load %arg7[%get3A_385, %get3A_386] {strides = array<i32>} : memref<1600x16xf32, #tpu.memory_space<vmem>>, vector<1x16xf32>,
      %get3A_388 = vector.shape_cast %get3A_387 : vector<1x16xf32> to vector<16xf32>
      %add3A_389 = arith.addf %add3A_382, %get3A_388 : vector<16xf32>
      %add3A_390 = arith.constant 25 : i32
      %add3A_391 = arith.addi %mul3A_218, %add3A_390 : i32
      %get3A_392 = arith.index_cast %add3A_391 : i32 to index
      %get3A_393 = arith.constant 0 : index
      %get3A_394 = tpu.vector_load %arg7[%get3A_392, %get3A_393] {strides = array<i32>} : memref<1600x16xf32, #tpu.memory_space<vmem>>, vector<1x16xf32>,
      %get3A_395 = vector.shape_cast %get3A_394 : vector<1x16xf32> to vector<16xf32>
      %add3A_396 = arith.addf %add3A_389, %get3A_395 : vector<16xf32>
      %add3A_397 = arith.constant 26 : i32
      %add3A_398 = arith.addi %mul3A_218, %add3A_397 : i32
      %get3A_399 = arith.index_cast %add3A_398 : i32 to index
      %get3A_400 = arith.constant 0 : index
      %get3A_401 = tpu.vector_load %arg7[%get3A_399, %get3A_400] {strides = array<i32>} : memref<1600x16xf32, #tpu.memory_space<vmem>>, vector<1x16xf32>,
      %get3A_402 = vector.shape_cast %get3A_401 : vector<1x16xf32> to vector<16xf32>
      %add3A_403 = arith.addf %add3A_396, %get3A_402 : vector<16xf32>
      %add3A_404 = arith.constant 27 : i32
      %add3A_405 = arith.addi %mul3A_218, %add3A_404 : i32
      %get3A_406 = arith.index_cast %add3A_405 : i32 to index
      %get3A_407 = arith.constant 0 : index
      %get3A_408 = tpu.vector_load %arg7[%get3A_406, %get3A_407] {strides = array<i32>} : memref<1600x16xf32, #tpu.memory_space<vmem>>, vector<1x16xf32>,
      %get3A_409 = vector.shape_cast %get3A_408 : vector<1x16xf32> to vector<16xf32>
      %add3A_410 = arith.addf %add3A_403, %get3A_409 : vector<16xf32>
      %add3A_411 = arith.constant 28 : i32
      %add3A_412 = arith.addi %mul3A_218, %add3A_411 : i32
      %get3A_413 = arith.index_cast %add3A_412 : i32 to index
      %get3A_414 = arith.constant 0 : index
      %get3A_415 = tpu.vector_load %arg7[%get3A_413, %get3A_414] {strides = array<i32>} : memref<1600x16xf32, #tpu.memory_space<vmem>>, vector<1x16xf32>,
      %get3A_416 = vector.shape_cast %get3A_415 : vector<1x16xf32> to vector<16xf32>
      %add3A_417 = arith.addf %add3A_410, %get3A_416 : vector<16xf32>
      %add3A_418 = arith.constant 29 : i32
      %add3A_419 = arith.addi %mul3A_218, %add3A_418 : i32
      %get3A_420 = arith.index_cast %add3A_419 : i32 to index
      %get3A_421 = arith.constant 0 : index
      %get3A_422 = tpu.vector_load %arg7[%get3A_420, %get3A_421] {strides = array<i32>} : memref<1600x16xf32, #tpu.memory_space<vmem>>, vector<1x16xf32>,
      %get3A_423 = vector.shape_cast %get3A_422 : vector<1x16xf32> to vector<16xf32>
      %add3A_424 = arith.addf %add3A_417, %get3A_423 : vector<16xf32>
      %add3A_425 = arith.constant 30 : i32
      %add3A_426 = arith.addi %mul3A_218, %add3A_425 : i32
      %get3A_427 = arith.index_cast %add3A_426 : i32 to index
      %get3A_428 = arith.constant 0 : index
      %get3A_429 = tpu.vector_load %arg7[%get3A_427, %get3A_428] {strides = array<i32>} : memref<1600x16xf32, #tpu.memory_space<vmem>>, vector<1x16xf32>,
      %get3A_430 = vector.shape_cast %get3A_429 : vector<1x16xf32> to vector<16xf32>
      %add3A_431 = arith.addf %add3A_424, %get3A_430 : vector<16xf32>
      %add3A_432 = arith.constant 31 : i32
      %add3A_433 = arith.addi %mul3A_218, %add3A_432 : i32
      %get3A_434 = arith.index_cast %add3A_433 : i32 to index
      %get3A_435 = arith.constant 0 : index
      %get3A_436 = tpu.vector_load %arg7[%get3A_434, %get3A_435] {strides = array<i32>} : memref<1600x16xf32, #tpu.memory_space<vmem>>, vector<1x16xf32>,
      %get3A_437 = vector.shape_cast %get3A_436 : vector<1x16xf32> to vector<16xf32>
      %add3A_438 = arith.addf %add3A_431, %get3A_437 : vector<16xf32>
      %add3A_439 = arith.constant 32 : i32
      %add3A_440 = arith.addi %mul3A_218, %add3A_439 : i32
      %get3A_441 = arith.index_cast %add3A_440 : i32 to index
      %get3A_442 = arith.constant 0 : index
      %get3A_443 = tpu.vector_load %arg7[%get3A_441, %get3A_442] {strides = array<i32>} : memref<1600x16xf32, #tpu.memory_space<vmem>>, vector<1x16xf32>,
      %get3A_444 = vector.shape_cast %get3A_443 : vector<1x16xf32> to vector<16xf32>
      %add3A_445 = arith.addf %add3A_438, %get3A_444 : vector<16xf32>
      %add3A_446 = arith.constant 33 : i32
      %add3A_447 = arith.addi %mul3A_218, %add3A_446 : i32
      %get3A_448 = arith.index_cast %add3A_447 : i32 to index
      %get3A_449 = arith.constant 0 : index
      %get3A_450 = tpu.vector_load %arg7[%get3A_448, %get3A_449] {strides = array<i32>} : memref<1600x16xf32, #tpu.memory_space<vmem>>, vector<1x16xf32>,
      %get3A_451 = vector.shape_cast %get3A_450 : vector<1x16xf32> to vector<16xf32>
      %add3A_452 = arith.addf %add3A_445, %get3A_451 : vector<16xf32>
      %add3A_453 = arith.constant 34 : i32
      %add3A_454 = arith.addi %mul3A_218, %add3A_453 : i32
      %get3A_455 = arith.index_cast %add3A_454 : i32 to index
      %get3A_456 = arith.constant 0 : index
      %get3A_457 = tpu.vector_load %arg7[%get3A_455, %get3A_456] {strides = array<i32>} : memref<1600x16xf32, #tpu.memory_space<vmem>>, vector<1x16xf32>,
      %get3A_458 = vector.shape_cast %get3A_457 : vector<1x16xf32> to vector<16xf32>
      %add3A_459 = arith.addf %add3A_452, %get3A_458 : vector<16xf32>
      %add3A_460 = arith.constant 35 : i32
      %add3A_461 = arith.addi %mul3A_218, %add3A_460 : i32
      %get3A_462 = arith.index_cast %add3A_461 : i32 to index
      %get3A_463 = arith.constant 0 : index
      %get3A_464 = tpu.vector_load %arg7[%get3A_462, %get3A_463] {strides = array<i32>} : memref<1600x16xf32, #tpu.memory_space<vmem>>, vector<1x16xf32>,
      %get3A_465 = vector.shape_cast %get3A_464 : vector<1x16xf32> to vector<16xf32>
      %add3A_466 = arith.addf %add3A_459, %get3A_465 : vector<16xf32>
      %add3A_467 = arith.constant 36 : i32
      %add3A_468 = arith.addi %mul3A_218, %add3A_467 : i32
      %get3A_469 = arith.index_cast %add3A_468 : i32 to index
      %get3A_470 = arith.constant 0 : index
      %get3A_471 = tpu.vector_load %arg7[%get3A_469, %get3A_470] {strides = array<i32>} : memref<1600x16xf32, #tpu.memory_space<vmem>>, vector<1x16xf32>,
      %get3A_472 = vector.shape_cast %get3A_471 : vector<1x16xf32> to vector<16xf32>
      %add3A_473 = arith.addf %add3A_466, %get3A_472 : vector<16xf32>
      %add3A_474 = arith.constant 37 : i32
      %add3A_475 = arith.addi %mul3A_218, %add3A_474 : i32
      %get3A_476 = arith.index_cast %add3A_475 : i32 to index
      %get3A_477 = arith.constant 0 : index
      %get3A_478 = tpu.vector_load %arg7[%get3A_476, %get3A_477] {strides = array<i32>} : memref<1600x16xf32, #tpu.memory_space<vmem>>, vector<1x16xf32>,
      %get3A_479 = vector.shape_cast %get3A_478 : vector<1x16xf32> to vector<16xf32>
      %add3A_480 = arith.addf %add3A_473, %get3A_479 : vector<16xf32>
      %add3A_481 = arith.constant 38 : i32
      %add3A_482 = arith.addi %mul3A_218, %add3A_481 : i32
      %get3A_483 = arith.index_cast %add3A_482 : i32 to index
      %get3A_484 = arith.constant 0 : index
      %get3A_485 = tpu.vector_load %arg7[%get3A_483, %get3A_484] {strides = array<i32>} : memref<1600x16xf32, #tpu.memory_space<vmem>>, vector<1x16xf32>,
      %get3A_486 = vector.shape_cast %get3A_485 : vector<1x16xf32> to vector<16xf32>
      %add3A_487 = arith.addf %add3A_480, %get3A_486 : vector<16xf32>
      %add3A_488 = arith.constant 39 : i32
      %add3A_489 = arith.addi %mul3A_218, %add3A_488 : i32
      %get3A_490 = arith.index_cast %add3A_489 : i32 to index
      %get3A_491 = arith.constant 0 : index
      %get3A_492 = tpu.vector_load %arg7[%get3A_490, %get3A_491] {strides = array<i32>} : memref<1600x16xf32, #tpu.memory_space<vmem>>, vector<1x16xf32>,
      %get3A_493 = vector.shape_cast %get3A_492 : vector<1x16xf32> to vector<16xf32>
      %add3A_494 = arith.addf %add3A_487, %get3A_493 : vector<16xf32>
      %add3A_495 = arith.constant 40 : i32
      %add3A_496 = arith.addi %mul3A_218, %add3A_495 : i32
      %get3A_497 = arith.index_cast %add3A_496 : i32 to index
      %get3A_498 = arith.constant 0 : index
      %get3A_499 = tpu.vector_load %arg7[%get3A_497, %get3A_498] {strides = array<i32>} : memref<1600x16xf32, #tpu.memory_space<vmem>>, vector<1x16xf32>,
      %get3A_500 = vector.shape_cast %get3A_499 : vector<1x16xf32> to vector<16xf32>
      %add3A_501 = arith.addf %add3A_494, %get3A_500 : vector<16xf32>
      %add3A_502 = arith.constant 41 : i32
      %add3A_503 = arith.addi %mul3A_218, %add3A_502 : i32
      %get3A_504 = arith.index_cast %add3A_503 : i32 to index
      %get3A_505 = arith.constant 0 : index
      %get3A_506 = tpu.vector_load %arg7[%get3A_504, %get3A_505] {strides = array<i32>} : memref<1600x16xf32, #tpu.memory_space<vmem>>, vector<1x16xf32>,
      %get3A_507 = vector.shape_cast %get3A_506 : vector<1x16xf32> to vector<16xf32>
      %add3A_508 = arith.addf %add3A_501, %get3A_507 : vector<16xf32>
      %add3A_509 = arith.constant 42 : i32
      %add3A_510 = arith.addi %mul3A_218, %add3A_509 : i32
      %get3A_511 = arith.index_cast %add3A_510 : i32 to index
      %get3A_512 = arith.constant 0 : index
      %get3A_513 = tpu.vector_load %arg7[%get3A_511, %get3A_512] {strides = array<i32>} : memref<1600x16xf32, #tpu.memory_space<vmem>>, vector<1x16xf32>,
      %get3A_514 = vector.shape_cast %get3A_513 : vector<1x16xf32> to vector<16xf32>
      %add3A_515 = arith.addf %add3A_508, %get3A_514 : vector<16xf32>
      %add3A_516 = arith.constant 43 : i32
      %add3A_517 = arith.addi %mul3A_218, %add3A_516 : i32
      %get3A_518 = arith.index_cast %add3A_517 : i32 to index
      %get3A_519 = arith.constant 0 : index
      %get3A_520 = tpu.vector_load %arg7[%get3A_518, %get3A_519] {strides = array<i32>} : memref<1600x16xf32, #tpu.memory_space<vmem>>, vector<1x16xf32>,
      %get3A_521 = vector.shape_cast %get3A_520 : vector<1x16xf32> to vector<16xf32>
      %add3A_522 = arith.addf %add3A_515, %get3A_521 : vector<16xf32>
      %add3A_523 = arith.constant 44 : i32
      %add3A_524 = arith.addi %mul3A_218, %add3A_523 : i32
      %get3A_525 = arith.index_cast %add3A_524 : i32 to index
      %get3A_526 = arith.constant 0 : index
      %get3A_527 = tpu.vector_load %arg7[%get3A_525, %get3A_526] {strides = array<i32>} : memref<1600x16xf32, #tpu.memory_space<vmem>>, vector<1x16xf32>,
      %get3A_528 = vector.shape_cast %get3A_527 : vector<1x16xf32> to vector<16xf32>
      %add3A_529 = arith.addf %add3A_522, %get3A_528 : vector<16xf32>
      %add3A_530 = arith.constant 45 : i32
      %add3A_531 = arith.addi %mul3A_218, %add3A_530 : i32
      %get3A_532 = arith.index_cast %add3A_531 : i32 to index
      %get3A_533 = arith.constant 0 : index
      %get3A_534 = tpu.vector_load %arg7[%get3A_532, %get3A_533] {strides = array<i32>} : memref<1600x16xf32, #tpu.memory_space<vmem>>, vector<1x16xf32>,
      %get3A_535 = vector.shape_cast %get3A_534 : vector<1x16xf32> to vector<16xf32>
      %add3A_536 = arith.addf %add3A_529, %get3A_535 : vector<16xf32>
      %add3A_537 = arith.constant 46 : i32
      %add3A_538 = arith.addi %mul3A_218, %add3A_537 : i32
      %get3A_539 = arith.index_cast %add3A_538 : i32 to index
      %get3A_540 = arith.constant 0 : index
      %get3A_541 = tpu.vector_load %arg7[%get3A_539, %get3A_540] {strides = array<i32>} : memref<1600x16xf32, #tpu.memory_space<vmem>>, vector<1x16xf32>,
      %get3A_542 = vector.shape_cast %get3A_541 : vector<1x16xf32> to vector<16xf32>
      %add3A_543 = arith.addf %add3A_536, %get3A_542 : vector<16xf32>
      %add3A_544 = arith.constant 47 : i32
      %add3A_545 = arith.addi %mul3A_218, %add3A_544 : i32
      %get3A_546 = arith.index_cast %add3A_545 : i32 to index
      %get3A_547 = arith.constant 0 : index
      %get3A_548 = tpu.vector_load %arg7[%get3A_546, %get3A_547] {strides = array<i32>} : memref<1600x16xf32, #tpu.memory_space<vmem>>, vector<1x16xf32>,
      %get3A_549 = vector.shape_cast %get3A_548 : vector<1x16xf32> to vector<16xf32>
      %add3A_550 = arith.addf %add3A_543, %get3A_549 : vector<16xf32>
      %add3A_551 = arith.constant 48 : i32
      %add3A_552 = arith.addi %mul3A_218, %add3A_551 : i32
      %get3A_553 = arith.index_cast %add3A_552 : i32 to index
      %get3A_554 = arith.constant 0 : index
      %get3A_555 = tpu.vector_load %arg7[%get3A_553, %get3A_554] {strides = array<i32>} : memref<1600x16xf32, #tpu.memory_space<vmem>>, vector<1x16xf32>,
      %get3A_556 = vector.shape_cast %get3A_555 : vector<1x16xf32> to vector<16xf32>
      %add3A_557 = arith.addf %add3A_550, %get3A_556 : vector<16xf32>
      %add3A_558 = arith.constant 49 : i32
      %add3A_559 = arith.addi %mul3A_218, %add3A_558 : i32
      %get3A_560 = arith.index_cast %add3A_559 : i32 to index
      %get3A_561 = arith.constant 0 : index
      %get3A_562 = tpu.vector_load %arg7[%get3A_560, %get3A_561] {strides = array<i32>} : memref<1600x16xf32, #tpu.memory_space<vmem>>, vector<1x16xf32>,
      %get3A_563 = vector.shape_cast %get3A_562 : vector<1x16xf32> to vector<16xf32>
      %add3A_564 = arith.addf %add3A_557, %get3A_563 : vector<16xf32>
      %swap3A = arith.index_cast %scan3A_216 : i32 to index
      %swap3A_565 = arith.constant 0 : index
      %swap3A_566 = tpu.vector_load %arg8[%swap3A, %swap3A_565] {strides = array<i32>} : memref<32x16xf32, #tpu.memory_space<vmem>>, vector<1x16xf32>,
      %swap3A_567 = vector.shape_cast %swap3A_566 : vector<1x16xf32> to vector<16xf32>
      %swap3A_568 = vector.shape_cast %add3A_564 : vector<16xf32> to vector<1x16xf32>
      tpu.vector_store %arg8[%swap3A, %swap3A_565], %swap3A_568 {strides = array<i32>} : memref<32x16xf32, #tpu.memory_space<vmem>>, vector<1x16xf32>,
    }
    %scan3A_213 = arith.constant 32 : i32
    %mul3A_214 = arith.constant 32 : i32
    %mul3A_215 = arith.muli %add3A, %mul3A_214 : i32
    "tpu.region"() ({
      %run_scoped3A = tpu.sem_alloc : memref<!tpu.dma_semaphore, #tpu.memory_space<semaphore_mem>>
      %dma_start3A_216 = arith.constant 0 : i32
      %dma_start3A_217 = tpu.memref_slice %arg4[%mul3A_215, %dma_start3A_216] : memref<1024x16xf32, #tpu.memory_space<hbm>> -> memref<32x16xf32, #tpu.memory_space<hbm>>
      %dma_start3A_218 = arith.constant 0 : i32
      %dma_start3A_219 = tpu.memref_slice %arg4[%mul3A_215, %dma_start3A_218] : memref<1024x16xf32, #tpu.memory_space<hbm>> -> memref<32x16xf32, #tpu.memory_space<hbm>>
      tpu.enqueue_dma source(%arg8 : memref<32x16xf32, #tpu.memory_space<vmem>>) target(%dma_start3A_219 : memref<32x16xf32, #tpu.memory_space<hbm>>) target_semaphore(%run_scoped3A : memref<!tpu.dma_semaphore, #tpu.memory_space<semaphore_mem>>)
      %dma_wait3A_220 = arith.constant 0 : i32
      %dma_wait3A_221 = tpu.memref_slice %arg4[%mul3A_215, %dma_wait3A_220] : memref<1024x16xf32, #tpu.memory_space<hbm>> -> memref<32x16xf32, #tpu.memory_space<hbm>>
      %dma_wait3A_222 = arith.constant 0 : i32
      %dma_wait3A_223 = tpu.memref_slice %arg4[%mul3A_215, %dma_wait3A_222] : memref<1024x16xf32, #tpu.memory_space<hbm>> -> memref<32x16xf32, #tpu.memory_space<hbm>>
      tpu.wait_dma2 semaphore(%run_scoped3A : memref<!tpu.dma_semaphore, #tpu.memory_space<semaphore_mem>>) src(%arg8 : memref<32x16xf32, #tpu.memory_space<vmem>>) dst(%dma_wait3A_223 : memref<32x16xf32, #tpu.memory_space<hbm>>)
      tpu.yield
    }) : () -> ()
    return
  }
}

module attributes {stable_mosaic.version = 14 : i64} {
  func.func @_mm_body(%arg0: i32, %arg1: memref<1024x16xf32, #tpu.memory_space<vmem>>, %arg2: memref<16x6144xf32, #tpu.memory_space<vmem>>, %arg3: memref<1024x100000xf32, #tpu.memory_space<any>>, %arg4: memref<1024x100000xf32, #tpu.memory_space<any>>, %arg5: memref<6x1024x1024xf32, #tpu.memory_space<vmem>>, %arg6: memref<6x!tpu.dma_semaphore, #tpu.memory_space<semaphore_mem>>) attributes {dimension_semantics = [#tpu.dimension_semantics<arbitrary>], iteration_bounds = array<i64: 17>, scalar_prefetch = 0 : i64, scratch_operands = 2 : i64, tpu.core_type = #tpu.core_type<tc>, window_params = [{pipeline_mode = #tpu.pipeline_mode<synchronous>, transform_indices = @transform_0, window_bounds = array<i64: 1024, 16>}, {transform_indices = @transform_1, window_bounds = array<i64: 16, 6144>}, {}, {}]} {
    %mul3A = arith.constant 6 : i32
    %mul3A_0 = arith.muli %arg0, %mul3A : i32
    %add3A = arith.constant 0 : i32
    %add3A_1 = arith.addi %mul3A_0, %add3A : i32
    %gt3A = arith.constant 0 : i32
    %gt3A_2 = arith.cmpi sgt, %arg0, %gt3A : i32
    %sub3A = arith.constant 6 : i32
    %sub3A_3 = arith.subi %add3A_1, %sub3A : i32
    %lt3A = arith.constant 97 : i32
    %lt3A_4 = arith.cmpi slt, %sub3A_3, %lt3A : i32
    %and3A = arith.andi %gt3A_2, %lt3A_4 : i1
    %convert_element_type3A = arith.extui %and3A : i1 to i32
    %cond3A = arith.constant 0 : i32
    %cond3A_5 = arith.cmpi ne, %convert_element_type3A, %cond3A : i32
    scf.if %cond3A_5 {
      %sub3A_221 = arith.constant 6 : i32
      %sub3A_222 = arith.subi %add3A_1, %sub3A_221 : i32
      %mul3A_223 = arith.constant 1024 : i32
      %mul3A_224 = arith.muli %sub3A_222, %mul3A_223 : i32
      %dma_wait3A = arith.constant 0 : i32
      %dma_wait3A_225 = arith.constant 0 : i32
      %dma_wait3A_226 = tpu.memref_slice %arg6[%dma_wait3A_225] : memref<6x!tpu.dma_semaphore, #tpu.memory_space<semaphore_mem>> -> memref<1x!tpu.dma_semaphore, #tpu.memory_space<semaphore_mem>>
      %dma_wait3A_227 = tpu.memref_squeeze %dma_wait3A_226 : memref<1x!tpu.dma_semaphore, #tpu.memory_space<semaphore_mem>> -> memref<!tpu.dma_semaphore, #tpu.memory_space<semaphore_mem>>
      %dma_wait3A_228 = arith.constant 0 : i32
      %dma_wait3A_229 = tpu.memref_slice %arg4[%dma_wait3A_228, %mul3A_224] : memref<1024x100000xf32, #tpu.memory_space<any>> -> memref<1024x1024xf32, #tpu.memory_space<any>>
      %dma_wait3A_230 = arith.constant 0 : i32
      %dma_wait3A_231 = arith.constant 0 : i32
      %dma_wait3A_232 = tpu.memref_slice %arg5[%dma_wait3A, %dma_wait3A_230, %dma_wait3A_231] : memref<6x1024x1024xf32, #tpu.memory_space<vmem>> -> memref<1x1024x1024xf32, #tpu.memory_space<vmem>>
      %dma_wait3A_233 = tpu.memref_squeeze %dma_wait3A_232 : memref<1x1024x1024xf32, #tpu.memory_space<vmem>> -> memref<1024x1024xf32, #tpu.memory_space<vmem>>
      tpu.wait_dma2 semaphore(%dma_wait3A_227 : memref<!tpu.dma_semaphore, #tpu.memory_space<semaphore_mem>>) src(%dma_wait3A_233 : memref<1024x1024xf32, #tpu.memory_space<vmem>>) dst(%dma_wait3A_229 : memref<1024x1024xf32, #tpu.memory_space<any>>)
    } else {
    }
    %get3A = arith.constant 0 : index
    %get3A_6 = arith.constant 0 : index
    %get3A_7 = vector.load %arg1[%get3A, %get3A_6] : memref<1024x16xf32, #tpu.memory_space<vmem>>, vector<1024x16xf32>
    %get3A_8 = arith.constant 0 : index
    %get3A_9 = arith.constant 0 : index
    %get3A_10 = vector.load %arg2[%get3A_8, %get3A_9] : memref<16x6144xf32, #tpu.memory_space<vmem>>, vector<16x1024xf32>
    %dot_general3A = arith.constant dense<0.000000e+00> : vector<1024x1024xf32>
    %dot_general3A_11 = tpu.matmul %get3A_7, %get3A_10, %dot_general3A {dimension_numbers = #tpu.dot_dimension_numbers<[1], [0], [0], [1], [0, 0, 1, 1], [], []>, transpose_lhs_hint = false} : vector<1024x16xf32>, vector<16x1024xf32>, vector<1024x1024xf32> -> vector<1024x1024xf32>
    %swap3A = arith.constant 0 : index
    %swap3A_12 = arith.constant 0 : index
    %swap3A_13 = arith.constant 0 : index
    %swap3A_14 = vector.load %arg5[%swap3A, %swap3A_12, %swap3A_13] : memref<6x1024x1024xf32, #tpu.memory_space<vmem>>, vector<1x1024x1024xf32>
    %swap3A_15 = vector.shape_cast %swap3A_14 : vector<1x1024x1024xf32> to vector<1024x1024xf32>
    %swap3A_16 = vector.shape_cast %dot_general3A_11 : vector<1024x1024xf32> to vector<1x1024x1024xf32>
    tpu.vector_store %arg5[%swap3A, %swap3A_12, %swap3A_13], %swap3A_16 {strides = array<i32>} : memref<6x1024x1024xf32, #tpu.memory_space<vmem>>, vector<1x1024x1024xf32>,
    %lt3A_17 = arith.constant 97 : i32
    %lt3A_18 = arith.cmpi slt, %add3A_1, %lt3A_17 : i32
    %convert_element_type3A_19 = arith.extui %lt3A_18 : i1 to i32
    %cond3A_20 = arith.constant 0 : i32
    %cond3A_21 = arith.cmpi ne, %convert_element_type3A_19, %cond3A_20 : i32
    scf.if %cond3A_21 {
      %mul3A_221 = arith.constant 1024 : i32
      %mul3A_222 = arith.muli %add3A_1, %mul3A_221 : i32
      %dma_start3A = arith.constant 0 : i32
      %dma_start3A_223 = arith.constant 0 : i32
      %dma_start3A_224 = tpu.memref_slice %arg6[%dma_start3A_223] : memref<6x!tpu.dma_semaphore, #tpu.memory_space<semaphore_mem>> -> memref<1x!tpu.dma_semaphore, #tpu.memory_space<semaphore_mem>>
      %dma_start3A_225 = tpu.memref_squeeze %dma_start3A_224 : memref<1x!tpu.dma_semaphore, #tpu.memory_space<semaphore_mem>> -> memref<!tpu.dma_semaphore, #tpu.memory_space<semaphore_mem>>
      %dma_start3A_226 = arith.constant 0 : i32
      %dma_start3A_227 = tpu.memref_slice %arg4[%dma_start3A_226, %mul3A_222] : memref<1024x100000xf32, #tpu.memory_space<any>> -> memref<1024x1024xf32, #tpu.memory_space<any>>
      %dma_start3A_228 = arith.constant 0 : i32
      %dma_start3A_229 = arith.constant 0 : i32
      %dma_start3A_230 = tpu.memref_slice %arg5[%dma_start3A, %dma_start3A_228, %dma_start3A_229] : memref<6x1024x1024xf32, #tpu.memory_space<vmem>> -> memref<1x1024x1024xf32, #tpu.memory_space<vmem>>
      %dma_start3A_231 = tpu.memref_squeeze %dma_start3A_230 : memref<1x1024x1024xf32, #tpu.memory_space<vmem>> -> memref<1024x1024xf32, #tpu.memory_space<vmem>>
      tpu.enqueue_dma source(%dma_start3A_231 : memref<1024x1024xf32, #tpu.memory_space<vmem>>) target(%dma_start3A_227 : memref<1024x1024xf32, #tpu.memory_space<any>>) target_semaphore(%dma_start3A_225 : memref<!tpu.dma_semaphore, #tpu.memory_space<semaphore_mem>>)
    } else {
    }
    %eq3A = arith.constant 97 : i32
    %eq3A_22 = arith.cmpi eq, %add3A_1, %eq3A : i32
    %convert_element_type3A_23 = arith.extui %eq3A_22 : i1 to i32
    %cond3A_24 = arith.constant 0 : i32
    %cond3A_25 = arith.cmpi ne, %convert_element_type3A_23, %cond3A_24 : i32
    scf.if %cond3A_25 {
      %mul3A_221 = arith.constant 1024 : i32
      %mul3A_222 = arith.muli %add3A_1, %mul3A_221 : i32
      %dma_start3A = arith.constant 0 : i32
      %dma_start3A_223 = arith.constant 0 : i32
      %dma_start3A_224 = tpu.memref_slice %arg6[%dma_start3A_223] : memref<6x!tpu.dma_semaphore, #tpu.memory_space<semaphore_mem>> -> memref<1x!tpu.dma_semaphore, #tpu.memory_space<semaphore_mem>>
      %dma_start3A_225 = tpu.memref_squeeze %dma_start3A_224 : memref<1x!tpu.dma_semaphore, #tpu.memory_space<semaphore_mem>> -> memref<!tpu.dma_semaphore, #tpu.memory_space<semaphore_mem>>
      %dma_start3A_226 = arith.constant 0 : i32
      %dma_start3A_227 = tpu.memref_slice %arg4[%dma_start3A_226, %mul3A_222] : memref<1024x100000xf32, #tpu.memory_space<any>> -> memref<1024x768xf32, #tpu.memory_space<any>>
      %dma_start3A_228 = arith.constant 0 : i32
      %dma_start3A_229 = arith.constant 0 : i32
      %dma_start3A_230 = tpu.memref_slice %arg5[%dma_start3A, %dma_start3A_228, %dma_start3A_229] : memref<6x1024x1024xf32, #tpu.memory_space<vmem>> -> memref<1x1024x768xf32, #tpu.memory_space<vmem>>
      %dma_start3A_231 = tpu.memref_squeeze %dma_start3A_230 : memref<1x1024x768xf32, #tpu.memory_space<vmem>> -> memref<1024x768xf32, #tpu.memory_space<vmem>>
      tpu.enqueue_dma source(%dma_start3A_231 : memref<1024x768xf32, #tpu.memory_space<vmem>>) target(%dma_start3A_227 : memref<1024x768xf32, #tpu.memory_space<any>>) target_semaphore(%dma_start3A_225 : memref<!tpu.dma_semaphore, #tpu.memory_space<semaphore_mem>>)
    } else {
    }
    %mul3A_26 = arith.constant 6 : i32
    %mul3A_27 = arith.muli %arg0, %mul3A_26 : i32
    %add3A_28 = arith.constant 1 : i32
    %add3A_29 = arith.addi %mul3A_27, %add3A_28 : i32
    %gt3A_30 = arith.constant 0 : i32
    %gt3A_31 = arith.cmpi sgt, %arg0, %gt3A_30 : i32
    %sub3A_32 = arith.constant 6 : i32
    %sub3A_33 = arith.subi %add3A_29, %sub3A_32 : i32
    %lt3A_34 = arith.constant 97 : i32
    %lt3A_35 = arith.cmpi slt, %sub3A_33, %lt3A_34 : i32
    %and3A_36 = arith.andi %gt3A_31, %lt3A_35 : i1
    %convert_element_type3A_37 = arith.extui %and3A_36 : i1 to i32
    %cond3A_38 = arith.constant 0 : i32
    %cond3A_39 = arith.cmpi ne, %convert_element_type3A_37, %cond3A_38 : i32
    scf.if %cond3A_39 {
      %sub3A_221 = arith.constant 6 : i32
      %sub3A_222 = arith.subi %add3A_29, %sub3A_221 : i32
      %mul3A_223 = arith.constant 1024 : i32
      %mul3A_224 = arith.muli %sub3A_222, %mul3A_223 : i32
      %dma_wait3A = arith.constant 1 : i32
      %dma_wait3A_225 = arith.constant 1 : i32
      %dma_wait3A_226 = tpu.memref_slice %arg6[%dma_wait3A_225] : memref<6x!tpu.dma_semaphore, #tpu.memory_space<semaphore_mem>> -> memref<1x!tpu.dma_semaphore, #tpu.memory_space<semaphore_mem>>
      %dma_wait3A_227 = tpu.memref_squeeze %dma_wait3A_226 : memref<1x!tpu.dma_semaphore, #tpu.memory_space<semaphore_mem>> -> memref<!tpu.dma_semaphore, #tpu.memory_space<semaphore_mem>>
      %dma_wait3A_228 = arith.constant 0 : i32
      %dma_wait3A_229 = tpu.memref_slice %arg3[%dma_wait3A_228, %mul3A_224] : memref<1024x100000xf32, #tpu.memory_space<any>> -> memref<1024x1024xf32, #tpu.memory_space<any>>
      %dma_wait3A_230 = arith.constant 0 : i32
      %dma_wait3A_231 = arith.constant 0 : i32
      %dma_wait3A_232 = tpu.memref_slice %arg5[%dma_wait3A, %dma_wait3A_230, %dma_wait3A_231] : memref<6x1024x1024xf32, #tpu.memory_space<vmem>> -> memref<1x1024x1024xf32, #tpu.memory_space<vmem>>
      %dma_wait3A_233 = tpu.memref_squeeze %dma_wait3A_232 : memref<1x1024x1024xf32, #tpu.memory_space<vmem>> -> memref<1024x1024xf32, #tpu.memory_space<vmem>>
      tpu.wait_dma2 semaphore(%dma_wait3A_227 : memref<!tpu.dma_semaphore, #tpu.memory_space<semaphore_mem>>) src(%dma_wait3A_233 : memref<1024x1024xf32, #tpu.memory_space<vmem>>) dst(%dma_wait3A_229 : memref<1024x1024xf32, #tpu.memory_space<any>>)
    } else {
    }
    %get3A_40 = arith.constant 0 : index
    %get3A_41 = arith.constant 0 : index
    %get3A_42 = vector.load %arg1[%get3A_40, %get3A_41] : memref<1024x16xf32, #tpu.memory_space<vmem>>, vector<1024x16xf32>
    %get3A_43 = arith.constant 0 : index
    %get3A_44 = arith.constant 1024 : index
    %get3A_45 = vector.load %arg2[%get3A_43, %get3A_44] : memref<16x6144xf32, #tpu.memory_space<vmem>>, vector<16x1024xf32>
    %dot_general3A_46 = arith.constant dense<0.000000e+00> : vector<1024x1024xf32>
    %dot_general3A_47 = tpu.matmul %get3A_42, %get3A_45, %dot_general3A_46 {dimension_numbers = #tpu.dot_dimension_numbers<[1], [0], [0], [1], [0, 0, 1, 1], [], []>, transpose_lhs_hint = false} : vector<1024x16xf32>, vector<16x1024xf32>, vector<1024x1024xf32> -> vector<1024x1024xf32>
    %swap3A_48 = arith.constant 1 : index
    %swap3A_49 = arith.constant 0 : index
    %swap3A_50 = arith.constant 0 : index
    %swap3A_51 = vector.load %arg5[%swap3A_48, %swap3A_49, %swap3A_50] : memref<6x1024x1024xf32, #tpu.memory_space<vmem>>, vector<1x1024x1024xf32>
    %swap3A_52 = vector.shape_cast %swap3A_51 : vector<1x1024x1024xf32> to vector<1024x1024xf32>
    %swap3A_53 = vector.shape_cast %dot_general3A_47 : vector<1024x1024xf32> to vector<1x1024x1024xf32>
    tpu.vector_store %arg5[%swap3A_48, %swap3A_49, %swap3A_50], %swap3A_53 {strides = array<i32>} : memref<6x1024x1024xf32, #tpu.memory_space<vmem>>, vector<1x1024x1024xf32>,
    %lt3A_54 = arith.constant 97 : i32
    %lt3A_55 = arith.cmpi slt, %add3A_29, %lt3A_54 : i32
    %convert_element_type3A_56 = arith.extui %lt3A_55 : i1 to i32
    %cond3A_57 = arith.constant 0 : i32
    %cond3A_58 = arith.cmpi ne, %convert_element_type3A_56, %cond3A_57 : i32
    scf.if %cond3A_58 {
      %mul3A_221 = arith.constant 1024 : i32
      %mul3A_222 = arith.muli %add3A_29, %mul3A_221 : i32
      %dma_start3A = arith.constant 1 : i32
      %dma_start3A_223 = arith.constant 1 : i32
      %dma_start3A_224 = tpu.memref_slice %arg6[%dma_start3A_223] : memref<6x!tpu.dma_semaphore, #tpu.memory_space<semaphore_mem>> -> memref<1x!tpu.dma_semaphore, #tpu.memory_space<semaphore_mem>>
      %dma_start3A_225 = tpu.memref_squeeze %dma_start3A_224 : memref<1x!tpu.dma_semaphore, #tpu.memory_space<semaphore_mem>> -> memref<!tpu.dma_semaphore, #tpu.memory_space<semaphore_mem>>
      %dma_start3A_226 = arith.constant 0 : i32
      %dma_start3A_227 = tpu.memref_slice %arg3[%dma_start3A_226, %mul3A_222] : memref<1024x100000xf32, #tpu.memory_space<any>> -> memref<1024x1024xf32, #tpu.memory_space<any>>
      %dma_start3A_228 = arith.constant 0 : i32
      %dma_start3A_229 = arith.constant 0 : i32
      %dma_start3A_230 = tpu.memref_slice %arg5[%dma_start3A, %dma_start3A_228, %dma_start3A_229] : memref<6x1024x1024xf32, #tpu.memory_space<vmem>> -> memref<1x1024x1024xf32, #tpu.memory_space<vmem>>
      %dma_start3A_231 = tpu.memref_squeeze %dma_start3A_230 : memref<1x1024x1024xf32, #tpu.memory_space<vmem>> -> memref<1024x1024xf32, #tpu.memory_space<vmem>>
      tpu.enqueue_dma source(%dma_start3A_231 : memref<1024x1024xf32, #tpu.memory_space<vmem>>) target(%dma_start3A_227 : memref<1024x1024xf32, #tpu.memory_space<any>>) target_semaphore(%dma_start3A_225 : memref<!tpu.dma_semaphore, #tpu.memory_space<semaphore_mem>>) {priority = 1 : i32}
    } else {
    }
    %eq3A_59 = arith.constant 97 : i32
    %eq3A_60 = arith.cmpi eq, %add3A_29, %eq3A_59 : i32
    %convert_element_type3A_61 = arith.extui %eq3A_60 : i1 to i32
    %cond3A_62 = arith.constant 0 : i32
    %cond3A_63 = arith.cmpi ne, %convert_element_type3A_61, %cond3A_62 : i32
    scf.if %cond3A_63 {
      %mul3A_221 = arith.constant 1024 : i32
      %mul3A_222 = arith.muli %add3A_29, %mul3A_221 : i32
      %dma_start3A = arith.constant 1 : i32
      %dma_start3A_223 = arith.constant 1 : i32
      %dma_start3A_224 = tpu.memref_slice %arg6[%dma_start3A_223] : memref<6x!tpu.dma_semaphore, #tpu.memory_space<semaphore_mem>> -> memref<1x!tpu.dma_semaphore, #tpu.memory_space<semaphore_mem>>
      %dma_start3A_225 = tpu.memref_squeeze %dma_start3A_224 : memref<1x!tpu.dma_semaphore, #tpu.memory_space<semaphore_mem>> -> memref<!tpu.dma_semaphore, #tpu.memory_space<semaphore_mem>>
      %dma_start3A_226 = arith.constant 0 : i32
      %dma_start3A_227 = tpu.memref_slice %arg3[%dma_start3A_226, %mul3A_222] : memref<1024x100000xf32, #tpu.memory_space<any>> -> memref<1024x768xf32, #tpu.memory_space<any>>
      %dma_start3A_228 = arith.constant 0 : i32
      %dma_start3A_229 = arith.constant 0 : i32
      %dma_start3A_230 = tpu.memref_slice %arg5[%dma_start3A, %dma_start3A_228, %dma_start3A_229] : memref<6x1024x1024xf32, #tpu.memory_space<vmem>> -> memref<1x1024x768xf32, #tpu.memory_space<vmem>>
      %dma_start3A_231 = tpu.memref_squeeze %dma_start3A_230 : memref<1x1024x768xf32, #tpu.memory_space<vmem>> -> memref<1024x768xf32, #tpu.memory_space<vmem>>
      tpu.enqueue_dma source(%dma_start3A_231 : memref<1024x768xf32, #tpu.memory_space<vmem>>) target(%dma_start3A_227 : memref<1024x768xf32, #tpu.memory_space<any>>) target_semaphore(%dma_start3A_225 : memref<!tpu.dma_semaphore, #tpu.memory_space<semaphore_mem>>) {priority = 1 : i32}
    } else {
    }
    %mul3A_64 = arith.constant 6 : i32
    %mul3A_65 = arith.muli %arg0, %mul3A_64 : i32
    %add3A_66 = arith.constant 2 : i32
    %add3A_67 = arith.addi %mul3A_65, %add3A_66 : i32
    %gt3A_68 = arith.constant 0 : i32
    %gt3A_69 = arith.cmpi sgt, %arg0, %gt3A_68 : i32
    %sub3A_70 = arith.constant 6 : i32
    %sub3A_71 = arith.subi %add3A_67, %sub3A_70 : i32
    %lt3A_72 = arith.constant 97 : i32
    %lt3A_73 = arith.cmpi slt, %sub3A_71, %lt3A_72 : i32
    %and3A_74 = arith.andi %gt3A_69, %lt3A_73 : i1
    %convert_element_type3A_75 = arith.extui %and3A_74 : i1 to i32
    %cond3A_76 = arith.constant 0 : i32
    %cond3A_77 = arith.cmpi ne, %convert_element_type3A_75, %cond3A_76 : i32
    scf.if %cond3A_77 {
      %sub3A_221 = arith.constant 6 : i32
      %sub3A_222 = arith.subi %add3A_67, %sub3A_221 : i32
      %mul3A_223 = arith.constant 1024 : i32
      %mul3A_224 = arith.muli %sub3A_222, %mul3A_223 : i32
      %dma_wait3A = arith.constant 2 : i32
      %dma_wait3A_225 = arith.constant 2 : i32
      %dma_wait3A_226 = tpu.memref_slice %arg6[%dma_wait3A_225] : memref<6x!tpu.dma_semaphore, #tpu.memory_space<semaphore_mem>> -> memref<1x!tpu.dma_semaphore, #tpu.memory_space<semaphore_mem>>
      %dma_wait3A_227 = tpu.memref_squeeze %dma_wait3A_226 : memref<1x!tpu.dma_semaphore, #tpu.memory_space<semaphore_mem>> -> memref<!tpu.dma_semaphore, #tpu.memory_space<semaphore_mem>>
      %dma_wait3A_228 = arith.constant 0 : i32
      %dma_wait3A_229 = tpu.memref_slice %arg4[%dma_wait3A_228, %mul3A_224] : memref<1024x100000xf32, #tpu.memory_space<any>> -> memref<1024x1024xf32, #tpu.memory_space<any>>
      %dma_wait3A_230 = arith.constant 0 : i32
      %dma_wait3A_231 = arith.constant 0 : i32
      %dma_wait3A_232 = tpu.memref_slice %arg5[%dma_wait3A, %dma_wait3A_230, %dma_wait3A_231] : memref<6x1024x1024xf32, #tpu.memory_space<vmem>> -> memref<1x1024x1024xf32, #tpu.memory_space<vmem>>
      %dma_wait3A_233 = tpu.memref_squeeze %dma_wait3A_232 : memref<1x1024x1024xf32, #tpu.memory_space<vmem>> -> memref<1024x1024xf32, #tpu.memory_space<vmem>>
      tpu.wait_dma2 semaphore(%dma_wait3A_227 : memref<!tpu.dma_semaphore, #tpu.memory_space<semaphore_mem>>) src(%dma_wait3A_233 : memref<1024x1024xf32, #tpu.memory_space<vmem>>) dst(%dma_wait3A_229 : memref<1024x1024xf32, #tpu.memory_space<any>>)
    } else {
    }
    %get3A_78 = arith.constant 0 : index
    %get3A_79 = arith.constant 0 : index
    %get3A_80 = vector.load %arg1[%get3A_78, %get3A_79] : memref<1024x16xf32, #tpu.memory_space<vmem>>, vector<1024x16xf32>
    %get3A_81 = arith.constant 0 : index
    %get3A_82 = arith.constant 2048 : index
    %get3A_83 = vector.load %arg2[%get3A_81, %get3A_82] : memref<16x6144xf32, #tpu.memory_space<vmem>>, vector<16x1024xf32>
    %dot_general3A_84 = arith.constant dense<0.000000e+00> : vector<1024x1024xf32>
    %dot_general3A_85 = tpu.matmul %get3A_80, %get3A_83, %dot_general3A_84 {dimension_numbers = #tpu.dot_dimension_numbers<[1], [0], [0], [1], [0, 0, 1, 1], [], []>, transpose_lhs_hint = false} : vector<1024x16xf32>, vector<16x1024xf32>, vector<1024x1024xf32> -> vector<1024x1024xf32>
    %swap3A_86 = arith.constant 2 : index
    %swap3A_87 = arith.constant 0 : index
    %swap3A_88 = arith.constant 0 : index
    %swap3A_89 = vector.load %arg5[%swap3A_86, %swap3A_87, %swap3A_88] : memref<6x1024x1024xf32, #tpu.memory_space<vmem>>, vector<1x1024x1024xf32>
    %swap3A_90 = vector.shape_cast %swap3A_89 : vector<1x1024x1024xf32> to vector<1024x1024xf32>
    %swap3A_91 = vector.shape_cast %dot_general3A_85 : vector<1024x1024xf32> to vector<1x1024x1024xf32>
    tpu.vector_store %arg5[%swap3A_86, %swap3A_87, %swap3A_88], %swap3A_91 {strides = array<i32>} : memref<6x1024x1024xf32, #tpu.memory_space<vmem>>, vector<1x1024x1024xf32>,
    %lt3A_92 = arith.constant 97 : i32
    %lt3A_93 = arith.cmpi slt, %add3A_67, %lt3A_92 : i32
    %convert_element_type3A_94 = arith.extui %lt3A_93 : i1 to i32
    %cond3A_95 = arith.constant 0 : i32
    %cond3A_96 = arith.cmpi ne, %convert_element_type3A_94, %cond3A_95 : i32
    scf.if %cond3A_96 {
      %mul3A_221 = arith.constant 1024 : i32
      %mul3A_222 = arith.muli %add3A_67, %mul3A_221 : i32
      %dma_start3A = arith.constant 2 : i32
      %dma_start3A_223 = arith.constant 2 : i32
      %dma_start3A_224 = tpu.memref_slice %arg6[%dma_start3A_223] : memref<6x!tpu.dma_semaphore, #tpu.memory_space<semaphore_mem>> -> memref<1x!tpu.dma_semaphore, #tpu.memory_space<semaphore_mem>>
      %dma_start3A_225 = tpu.memref_squeeze %dma_start3A_224 : memref<1x!tpu.dma_semaphore, #tpu.memory_space<semaphore_mem>> -> memref<!tpu.dma_semaphore, #tpu.memory_space<semaphore_mem>>
      %dma_start3A_226 = arith.constant 0 : i32
      %dma_start3A_227 = tpu.memref_slice %arg4[%dma_start3A_226, %mul3A_222] : memref<1024x100000xf32, #tpu.memory_space<any>> -> memref<1024x1024xf32, #tpu.memory_space<any>>
      %dma_start3A_228 = arith.constant 0 : i32
      %dma_start3A_229 = arith.constant 0 : i32
      %dma_start3A_230 = tpu.memref_slice %arg5[%dma_start3A, %dma_start3A_228, %dma_start3A_229] : memref<6x1024x1024xf32, #tpu.memory_space<vmem>> -> memref<1x1024x1024xf32, #tpu.memory_space<vmem>>
      %dma_start3A_231 = tpu.memref_squeeze %dma_start3A_230 : memref<1x1024x1024xf32, #tpu.memory_space<vmem>> -> memref<1024x1024xf32, #tpu.memory_space<vmem>>
      tpu.enqueue_dma source(%dma_start3A_231 : memref<1024x1024xf32, #tpu.memory_space<vmem>>) target(%dma_start3A_227 : memref<1024x1024xf32, #tpu.memory_space<any>>) target_semaphore(%dma_start3A_225 : memref<!tpu.dma_semaphore, #tpu.memory_space<semaphore_mem>>)
    } else {
    }
    %eq3A_97 = arith.constant 97 : i32
    %eq3A_98 = arith.cmpi eq, %add3A_67, %eq3A_97 : i32
    %convert_element_type3A_99 = arith.extui %eq3A_98 : i1 to i32
    %cond3A_100 = arith.constant 0 : i32
    %cond3A_101 = arith.cmpi ne, %convert_element_type3A_99, %cond3A_100 : i32
    scf.if %cond3A_101 {
      %mul3A_221 = arith.constant 1024 : i32
      %mul3A_222 = arith.muli %add3A_67, %mul3A_221 : i32
      %dma_start3A = arith.constant 2 : i32
      %dma_start3A_223 = arith.constant 2 : i32
      %dma_start3A_224 = tpu.memref_slice %arg6[%dma_start3A_223] : memref<6x!tpu.dma_semaphore, #tpu.memory_space<semaphore_mem>> -> memref<1x!tpu.dma_semaphore, #tpu.memory_space<semaphore_mem>>
      %dma_start3A_225 = tpu.memref_squeeze %dma_start3A_224 : memref<1x!tpu.dma_semaphore, #tpu.memory_space<semaphore_mem>> -> memref<!tpu.dma_semaphore, #tpu.memory_space<semaphore_mem>>
      %dma_start3A_226 = arith.constant 0 : i32
      %dma_start3A_227 = tpu.memref_slice %arg4[%dma_start3A_226, %mul3A_222] : memref<1024x100000xf32, #tpu.memory_space<any>> -> memref<1024x768xf32, #tpu.memory_space<any>>
      %dma_start3A_228 = arith.constant 0 : i32
      %dma_start3A_229 = arith.constant 0 : i32
      %dma_start3A_230 = tpu.memref_slice %arg5[%dma_start3A, %dma_start3A_228, %dma_start3A_229] : memref<6x1024x1024xf32, #tpu.memory_space<vmem>> -> memref<1x1024x768xf32, #tpu.memory_space<vmem>>
      %dma_start3A_231 = tpu.memref_squeeze %dma_start3A_230 : memref<1x1024x768xf32, #tpu.memory_space<vmem>> -> memref<1024x768xf32, #tpu.memory_space<vmem>>
      tpu.enqueue_dma source(%dma_start3A_231 : memref<1024x768xf32, #tpu.memory_space<vmem>>) target(%dma_start3A_227 : memref<1024x768xf32, #tpu.memory_space<any>>) target_semaphore(%dma_start3A_225 : memref<!tpu.dma_semaphore, #tpu.memory_space<semaphore_mem>>)
    } else {
    }
    %mul3A_102 = arith.constant 6 : i32
    %mul3A_103 = arith.muli %arg0, %mul3A_102 : i32
    %add3A_104 = arith.constant 3 : i32
    %add3A_105 = arith.addi %mul3A_103, %add3A_104 : i32
    %gt3A_106 = arith.constant 0 : i32
    %gt3A_107 = arith.cmpi sgt, %arg0, %gt3A_106 : i32
    %sub3A_108 = arith.constant 6 : i32
    %sub3A_109 = arith.subi %add3A_105, %sub3A_108 : i32
    %lt3A_110 = arith.constant 97 : i32
    %lt3A_111 = arith.cmpi slt, %sub3A_109, %lt3A_110 : i32
    %and3A_112 = arith.andi %gt3A_107, %lt3A_111 : i1
    %convert_element_type3A_113 = arith.extui %and3A_112 : i1 to i32
    %cond3A_114 = arith.constant 0 : i32
    %cond3A_115 = arith.cmpi ne, %convert_element_type3A_113, %cond3A_114 : i32
    scf.if %cond3A_115 {
      %sub3A_221 = arith.constant 6 : i32
      %sub3A_222 = arith.subi %add3A_105, %sub3A_221 : i32
      %mul3A_223 = arith.constant 1024 : i32
      %mul3A_224 = arith.muli %sub3A_222, %mul3A_223 : i32
      %dma_wait3A = arith.constant 3 : i32
      %dma_wait3A_225 = arith.constant 3 : i32
      %dma_wait3A_226 = tpu.memref_slice %arg6[%dma_wait3A_225] : memref<6x!tpu.dma_semaphore, #tpu.memory_space<semaphore_mem>> -> memref<1x!tpu.dma_semaphore, #tpu.memory_space<semaphore_mem>>
      %dma_wait3A_227 = tpu.memref_squeeze %dma_wait3A_226 : memref<1x!tpu.dma_semaphore, #tpu.memory_space<semaphore_mem>> -> memref<!tpu.dma_semaphore, #tpu.memory_space<semaphore_mem>>
      %dma_wait3A_228 = arith.constant 0 : i32
      %dma_wait3A_229 = tpu.memref_slice %arg3[%dma_wait3A_228, %mul3A_224] : memref<1024x100000xf32, #tpu.memory_space<any>> -> memref<1024x1024xf32, #tpu.memory_space<any>>
      %dma_wait3A_230 = arith.constant 0 : i32
      %dma_wait3A_231 = arith.constant 0 : i32
      %dma_wait3A_232 = tpu.memref_slice %arg5[%dma_wait3A, %dma_wait3A_230, %dma_wait3A_231] : memref<6x1024x1024xf32, #tpu.memory_space<vmem>> -> memref<1x1024x1024xf32, #tpu.memory_space<vmem>>
      %dma_wait3A_233 = tpu.memref_squeeze %dma_wait3A_232 : memref<1x1024x1024xf32, #tpu.memory_space<vmem>> -> memref<1024x1024xf32, #tpu.memory_space<vmem>>
      tpu.wait_dma2 semaphore(%dma_wait3A_227 : memref<!tpu.dma_semaphore, #tpu.memory_space<semaphore_mem>>) src(%dma_wait3A_233 : memref<1024x1024xf32, #tpu.memory_space<vmem>>) dst(%dma_wait3A_229 : memref<1024x1024xf32, #tpu.memory_space<any>>)
    } else {
    }
    %get3A_116 = arith.constant 0 : index
    %get3A_117 = arith.constant 0 : index
    %get3A_118 = vector.load %arg1[%get3A_116, %get3A_117] : memref<1024x16xf32, #tpu.memory_space<vmem>>, vector<1024x16xf32>
    %get3A_119 = arith.constant 0 : index
    %get3A_120 = arith.constant 3072 : index
    %get3A_121 = vector.load %arg2[%get3A_119, %get3A_120] : memref<16x6144xf32, #tpu.memory_space<vmem>>, vector<16x1024xf32>
    %dot_general3A_122 = arith.constant dense<0.000000e+00> : vector<1024x1024xf32>
    %dot_general3A_123 = tpu.matmul %get3A_118, %get3A_121, %dot_general3A_122 {dimension_numbers = #tpu.dot_dimension_numbers<[1], [0], [0], [1], [0, 0, 1, 1], [], []>, transpose_lhs_hint = false} : vector<1024x16xf32>, vector<16x1024xf32>, vector<1024x1024xf32> -> vector<1024x1024xf32>
    %swap3A_124 = arith.constant 3 : index
    %swap3A_125 = arith.constant 0 : index
    %swap3A_126 = arith.constant 0 : index
    %swap3A_127 = vector.load %arg5[%swap3A_124, %swap3A_125, %swap3A_126] : memref<6x1024x1024xf32, #tpu.memory_space<vmem>>, vector<1x1024x1024xf32>
    %swap3A_128 = vector.shape_cast %swap3A_127 : vector<1x1024x1024xf32> to vector<1024x1024xf32>
    %swap3A_129 = vector.shape_cast %dot_general3A_123 : vector<1024x1024xf32> to vector<1x1024x1024xf32>
    tpu.vector_store %arg5[%swap3A_124, %swap3A_125, %swap3A_126], %swap3A_129 {strides = array<i32>} : memref<6x1024x1024xf32, #tpu.memory_space<vmem>>, vector<1x1024x1024xf32>,
    %lt3A_130 = arith.constant 97 : i32
    %lt3A_131 = arith.cmpi slt, %add3A_105, %lt3A_130 : i32
    %convert_element_type3A_132 = arith.extui %lt3A_131 : i1 to i32
    %cond3A_133 = arith.constant 0 : i32
    %cond3A_134 = arith.cmpi ne, %convert_element_type3A_132, %cond3A_133 : i32
    scf.if %cond3A_134 {
      %mul3A_221 = arith.constant 1024 : i32
      %mul3A_222 = arith.muli %add3A_105, %mul3A_221 : i32
      %dma_start3A = arith.constant 3 : i32
      %dma_start3A_223 = arith.constant 3 : i32
      %dma_start3A_224 = tpu.memref_slice %arg6[%dma_start3A_223] : memref<6x!tpu.dma_semaphore, #tpu.memory_space<semaphore_mem>> -> memref<1x!tpu.dma_semaphore, #tpu.memory_space<semaphore_mem>>
      %dma_start3A_225 = tpu.memref_squeeze %dma_start3A_224 : memref<1x!tpu.dma_semaphore, #tpu.memory_space<semaphore_mem>> -> memref<!tpu.dma_semaphore, #tpu.memory_space<semaphore_mem>>
      %dma_start3A_226 = arith.constant 0 : i32
      %dma_start3A_227 = tpu.memref_slice %arg3[%dma_start3A_226, %mul3A_222] : memref<1024x100000xf32, #tpu.memory_space<any>> -> memref<1024x1024xf32, #tpu.memory_space<any>>
      %dma_start3A_228 = arith.constant 0 : i32
      %dma_start3A_229 = arith.constant 0 : i32
      %dma_start3A_230 = tpu.memref_slice %arg5[%dma_start3A, %dma_start3A_228, %dma_start3A_229] : memref<6x1024x1024xf32, #tpu.memory_space<vmem>> -> memref<1x1024x1024xf32, #tpu.memory_space<vmem>>
      %dma_start3A_231 = tpu.memref_squeeze %dma_start3A_230 : memref<1x1024x1024xf32, #tpu.memory_space<vmem>> -> memref<1024x1024xf32, #tpu.memory_space<vmem>>
      tpu.enqueue_dma source(%dma_start3A_231 : memref<1024x1024xf32, #tpu.memory_space<vmem>>) target(%dma_start3A_227 : memref<1024x1024xf32, #tpu.memory_space<any>>) target_semaphore(%dma_start3A_225 : memref<!tpu.dma_semaphore, #tpu.memory_space<semaphore_mem>>) {priority = 1 : i32}
    } else {
    }
    %eq3A_135 = arith.constant 97 : i32
    %eq3A_136 = arith.cmpi eq, %add3A_105, %eq3A_135 : i32
    %convert_element_type3A_137 = arith.extui %eq3A_136 : i1 to i32
    %cond3A_138 = arith.constant 0 : i32
    %cond3A_139 = arith.cmpi ne, %convert_element_type3A_137, %cond3A_138 : i32
    scf.if %cond3A_139 {
      %mul3A_221 = arith.constant 1024 : i32
      %mul3A_222 = arith.muli %add3A_105, %mul3A_221 : i32
      %dma_start3A = arith.constant 3 : i32
      %dma_start3A_223 = arith.constant 3 : i32
      %dma_start3A_224 = tpu.memref_slice %arg6[%dma_start3A_223] : memref<6x!tpu.dma_semaphore, #tpu.memory_space<semaphore_mem>> -> memref<1x!tpu.dma_semaphore, #tpu.memory_space<semaphore_mem>>
      %dma_start3A_225 = tpu.memref_squeeze %dma_start3A_224 : memref<1x!tpu.dma_semaphore, #tpu.memory_space<semaphore_mem>> -> memref<!tpu.dma_semaphore, #tpu.memory_space<semaphore_mem>>
      %dma_start3A_226 = arith.constant 0 : i32
      %dma_start3A_227 = tpu.memref_slice %arg3[%dma_start3A_226, %mul3A_222] : memref<1024x100000xf32, #tpu.memory_space<any>> -> memref<1024x768xf32, #tpu.memory_space<any>>
      %dma_start3A_228 = arith.constant 0 : i32
      %dma_start3A_229 = arith.constant 0 : i32
      %dma_start3A_230 = tpu.memref_slice %arg5[%dma_start3A, %dma_start3A_228, %dma_start3A_229] : memref<6x1024x1024xf32, #tpu.memory_space<vmem>> -> memref<1x1024x768xf32, #tpu.memory_space<vmem>>
      %dma_start3A_231 = tpu.memref_squeeze %dma_start3A_230 : memref<1x1024x768xf32, #tpu.memory_space<vmem>> -> memref<1024x768xf32, #tpu.memory_space<vmem>>
      tpu.enqueue_dma source(%dma_start3A_231 : memref<1024x768xf32, #tpu.memory_space<vmem>>) target(%dma_start3A_227 : memref<1024x768xf32, #tpu.memory_space<any>>) target_semaphore(%dma_start3A_225 : memref<!tpu.dma_semaphore, #tpu.memory_space<semaphore_mem>>) {priority = 1 : i32}
    } else {
    }
    %mul3A_140 = arith.constant 6 : i32
    %mul3A_141 = arith.muli %arg0, %mul3A_140 : i32
    %add3A_142 = arith.constant 4 : i32
    %add3A_143 = arith.addi %mul3A_141, %add3A_142 : i32
    %gt3A_144 = arith.constant 0 : i32
    %gt3A_145 = arith.cmpi sgt, %arg0, %gt3A_144 : i32
    %sub3A_146 = arith.constant 6 : i32
    %sub3A_147 = arith.subi %add3A_143, %sub3A_146 : i32
    %lt3A_148 = arith.constant 97 : i32
    %lt3A_149 = arith.cmpi slt, %sub3A_147, %lt3A_148 : i32
    %and3A_150 = arith.andi %gt3A_145, %lt3A_149 : i1
    %convert_element_type3A_151 = arith.extui %and3A_150 : i1 to i32
    %cond3A_152 = arith.constant 0 : i32
    %cond3A_153 = arith.cmpi ne, %convert_element_type3A_151, %cond3A_152 : i32
    scf.if %cond3A_153 {
      %sub3A_221 = arith.constant 6 : i32
      %sub3A_222 = arith.subi %add3A_143, %sub3A_221 : i32
      %mul3A_223 = arith.constant 1024 : i32
      %mul3A_224 = arith.muli %sub3A_222, %mul3A_223 : i32
      %dma_wait3A = arith.constant 4 : i32
      %dma_wait3A_225 = arith.constant 4 : i32
      %dma_wait3A_226 = tpu.memref_slice %arg6[%dma_wait3A_225] : memref<6x!tpu.dma_semaphore, #tpu.memory_space<semaphore_mem>> -> memref<1x!tpu.dma_semaphore, #tpu.memory_space<semaphore_mem>>
      %dma_wait3A_227 = tpu.memref_squeeze %dma_wait3A_226 : memref<1x!tpu.dma_semaphore, #tpu.memory_space<semaphore_mem>> -> memref<!tpu.dma_semaphore, #tpu.memory_space<semaphore_mem>>
      %dma_wait3A_228 = arith.constant 0 : i32
      %dma_wait3A_229 = tpu.memref_slice %arg4[%dma_wait3A_228, %mul3A_224] : memref<1024x100000xf32, #tpu.memory_space<any>> -> memref<1024x1024xf32, #tpu.memory_space<any>>
      %dma_wait3A_230 = arith.constant 0 : i32
      %dma_wait3A_231 = arith.constant 0 : i32
      %dma_wait3A_232 = tpu.memref_slice %arg5[%dma_wait3A, %dma_wait3A_230, %dma_wait3A_231] : memref<6x1024x1024xf32, #tpu.memory_space<vmem>> -> memref<1x1024x1024xf32, #tpu.memory_space<vmem>>
      %dma_wait3A_233 = tpu.memref_squeeze %dma_wait3A_232 : memref<1x1024x1024xf32, #tpu.memory_space<vmem>> -> memref<1024x1024xf32, #tpu.memory_space<vmem>>
      tpu.wait_dma2 semaphore(%dma_wait3A_227 : memref<!tpu.dma_semaphore, #tpu.memory_space<semaphore_mem>>) src(%dma_wait3A_233 : memref<1024x1024xf32, #tpu.memory_space<vmem>>) dst(%dma_wait3A_229 : memref<1024x1024xf32, #tpu.memory_space<any>>)
    } else {
    }
    %get3A_154 = arith.constant 0 : index
    %get3A_155 = arith.constant 0 : index
    %get3A_156 = vector.load %arg1[%get3A_154, %get3A_155] : memref<1024x16xf32, #tpu.memory_space<vmem>>, vector<1024x16xf32>
    %get3A_157 = arith.constant 0 : index
    %get3A_158 = arith.constant 4096 : index
    %get3A_159 = vector.load %arg2[%get3A_157, %get3A_158] : memref<16x6144xf32, #tpu.memory_space<vmem>>, vector<16x1024xf32>
    %dot_general3A_160 = arith.constant dense<0.000000e+00> : vector<1024x1024xf32>
    %dot_general3A_161 = tpu.matmul %get3A_156, %get3A_159, %dot_general3A_160 {dimension_numbers = #tpu.dot_dimension_numbers<[1], [0], [0], [1], [0, 0, 1, 1], [], []>, transpose_lhs_hint = false} : vector<1024x16xf32>, vector<16x1024xf32>, vector<1024x1024xf32> -> vector<1024x1024xf32>
    %swap3A_162 = arith.constant 4 : index
    %swap3A_163 = arith.constant 0 : index
    %swap3A_164 = arith.constant 0 : index
    %swap3A_165 = vector.load %arg5[%swap3A_162, %swap3A_163, %swap3A_164] : memref<6x1024x1024xf32, #tpu.memory_space<vmem>>, vector<1x1024x1024xf32>
    %swap3A_166 = vector.shape_cast %swap3A_165 : vector<1x1024x1024xf32> to vector<1024x1024xf32>
    %swap3A_167 = vector.shape_cast %dot_general3A_161 : vector<1024x1024xf32> to vector<1x1024x1024xf32>
    tpu.vector_store %arg5[%swap3A_162, %swap3A_163, %swap3A_164], %swap3A_167 {strides = array<i32>} : memref<6x1024x1024xf32, #tpu.memory_space<vmem>>, vector<1x1024x1024xf32>,
    %lt3A_168 = arith.constant 97 : i32
    %lt3A_169 = arith.cmpi slt, %add3A_143, %lt3A_168 : i32
    %convert_element_type3A_170 = arith.extui %lt3A_169 : i1 to i32
    %cond3A_171 = arith.constant 0 : i32
    %cond3A_172 = arith.cmpi ne, %convert_element_type3A_170, %cond3A_171 : i32
    scf.if %cond3A_172 {
      %mul3A_221 = arith.constant 1024 : i32
      %mul3A_222 = arith.muli %add3A_143, %mul3A_221 : i32
      %dma_start3A = arith.constant 4 : i32
      %dma_start3A_223 = arith.constant 4 : i32
      %dma_start3A_224 = tpu.memref_slice %arg6[%dma_start3A_223] : memref<6x!tpu.dma_semaphore, #tpu.memory_space<semaphore_mem>> -> memref<1x!tpu.dma_semaphore, #tpu.memory_space<semaphore_mem>>
      %dma_start3A_225 = tpu.memref_squeeze %dma_start3A_224 : memref<1x!tpu.dma_semaphore, #tpu.memory_space<semaphore_mem>> -> memref<!tpu.dma_semaphore, #tpu.memory_space<semaphore_mem>>
      %dma_start3A_226 = arith.constant 0 : i32
      %dma_start3A_227 = tpu.memref_slice %arg4[%dma_start3A_226, %mul3A_222] : memref<1024x100000xf32, #tpu.memory_space<any>> -> memref<1024x1024xf32, #tpu.memory_space<any>>
      %dma_start3A_228 = arith.constant 0 : i32
      %dma_start3A_229 = arith.constant 0 : i32
      %dma_start3A_230 = tpu.memref_slice %arg5[%dma_start3A, %dma_start3A_228, %dma_start3A_229] : memref<6x1024x1024xf32, #tpu.memory_space<vmem>> -> memref<1x1024x1024xf32, #tpu.memory_space<vmem>>
      %dma_start3A_231 = tpu.memref_squeeze %dma_start3A_230 : memref<1x1024x1024xf32, #tpu.memory_space<vmem>> -> memref<1024x1024xf32, #tpu.memory_space<vmem>>
      tpu.enqueue_dma source(%dma_start3A_231 : memref<1024x1024xf32, #tpu.memory_space<vmem>>) target(%dma_start3A_227 : memref<1024x1024xf32, #tpu.memory_space<any>>) target_semaphore(%dma_start3A_225 : memref<!tpu.dma_semaphore, #tpu.memory_space<semaphore_mem>>)
    } else {
    }
    %eq3A_173 = arith.constant 97 : i32
    %eq3A_174 = arith.cmpi eq, %add3A_143, %eq3A_173 : i32
    %convert_element_type3A_175 = arith.extui %eq3A_174 : i1 to i32
    %cond3A_176 = arith.constant 0 : i32
    %cond3A_177 = arith.cmpi ne, %convert_element_type3A_175, %cond3A_176 : i32
    scf.if %cond3A_177 {
      %mul3A_221 = arith.constant 1024 : i32
      %mul3A_222 = arith.muli %add3A_143, %mul3A_221 : i32
      %dma_start3A = arith.constant 4 : i32
      %dma_start3A_223 = arith.constant 4 : i32
      %dma_start3A_224 = tpu.memref_slice %arg6[%dma_start3A_223] : memref<6x!tpu.dma_semaphore, #tpu.memory_space<semaphore_mem>> -> memref<1x!tpu.dma_semaphore, #tpu.memory_space<semaphore_mem>>
      %dma_start3A_225 = tpu.memref_squeeze %dma_start3A_224 : memref<1x!tpu.dma_semaphore, #tpu.memory_space<semaphore_mem>> -> memref<!tpu.dma_semaphore, #tpu.memory_space<semaphore_mem>>
      %dma_start3A_226 = arith.constant 0 : i32
      %dma_start3A_227 = tpu.memref_slice %arg4[%dma_start3A_226, %mul3A_222] : memref<1024x100000xf32, #tpu.memory_space<any>> -> memref<1024x768xf32, #tpu.memory_space<any>>
      %dma_start3A_228 = arith.constant 0 : i32
      %dma_start3A_229 = arith.constant 0 : i32
      %dma_start3A_230 = tpu.memref_slice %arg5[%dma_start3A, %dma_start3A_228, %dma_start3A_229] : memref<6x1024x1024xf32, #tpu.memory_space<vmem>> -> memref<1x1024x768xf32, #tpu.memory_space<vmem>>
      %dma_start3A_231 = tpu.memref_squeeze %dma_start3A_230 : memref<1x1024x768xf32, #tpu.memory_space<vmem>> -> memref<1024x768xf32, #tpu.memory_space<vmem>>
      tpu.enqueue_dma source(%dma_start3A_231 : memref<1024x768xf32, #tpu.memory_space<vmem>>) target(%dma_start3A_227 : memref<1024x768xf32, #tpu.memory_space<any>>) target_semaphore(%dma_start3A_225 : memref<!tpu.dma_semaphore, #tpu.memory_space<semaphore_mem>>)
    } else {
    }
    %mul3A_178 = arith.constant 6 : i32
    %mul3A_179 = arith.muli %arg0, %mul3A_178 : i32
    %add3A_180 = arith.constant 5 : i32
    %add3A_181 = arith.addi %mul3A_179, %add3A_180 : i32
    %gt3A_182 = arith.constant 0 : i32
    %gt3A_183 = arith.cmpi sgt, %arg0, %gt3A_182 : i32
    %sub3A_184 = arith.constant 6 : i32
    %sub3A_185 = arith.subi %add3A_181, %sub3A_184 : i32
    %lt3A_186 = arith.constant 97 : i32
    %lt3A_187 = arith.cmpi slt, %sub3A_185, %lt3A_186 : i32
    %and3A_188 = arith.andi %gt3A_183, %lt3A_187 : i1
    %convert_element_type3A_189 = arith.extui %and3A_188 : i1 to i32
    %cond3A_190 = arith.constant 0 : i32
    %cond3A_191 = arith.cmpi ne, %convert_element_type3A_189, %cond3A_190 : i32
    scf.if %cond3A_191 {
      %sub3A_221 = arith.constant 6 : i32
      %sub3A_222 = arith.subi %add3A_181, %sub3A_221 : i32
      %mul3A_223 = arith.constant 1024 : i32
      %mul3A_224 = arith.muli %sub3A_222, %mul3A_223 : i32
      %dma_wait3A = arith.constant 5 : i32
      %dma_wait3A_225 = arith.constant 5 : i32
      %dma_wait3A_226 = tpu.memref_slice %arg6[%dma_wait3A_225] : memref<6x!tpu.dma_semaphore, #tpu.memory_space<semaphore_mem>> -> memref<1x!tpu.dma_semaphore, #tpu.memory_space<semaphore_mem>>
      %dma_wait3A_227 = tpu.memref_squeeze %dma_wait3A_226 : memref<1x!tpu.dma_semaphore, #tpu.memory_space<semaphore_mem>> -> memref<!tpu.dma_semaphore, #tpu.memory_space<semaphore_mem>>
      %dma_wait3A_228 = arith.constant 0 : i32
      %dma_wait3A_229 = tpu.memref_slice %arg3[%dma_wait3A_228, %mul3A_224] : memref<1024x100000xf32, #tpu.memory_space<any>> -> memref<1024x1024xf32, #tpu.memory_space<any>>
      %dma_wait3A_230 = arith.constant 0 : i32
      %dma_wait3A_231 = arith.constant 0 : i32
      %dma_wait3A_232 = tpu.memref_slice %arg5[%dma_wait3A, %dma_wait3A_230, %dma_wait3A_231] : memref<6x1024x1024xf32, #tpu.memory_space<vmem>> -> memref<1x1024x1024xf32, #tpu.memory_space<vmem>>
      %dma_wait3A_233 = tpu.memref_squeeze %dma_wait3A_232 : memref<1x1024x1024xf32, #tpu.memory_space<vmem>> -> memref<1024x1024xf32, #tpu.memory_space<vmem>>
      tpu.wait_dma2 semaphore(%dma_wait3A_227 : memref<!tpu.dma_semaphore, #tpu.memory_space<semaphore_mem>>) src(%dma_wait3A_233 : memref<1024x1024xf32, #tpu.memory_space<vmem>>) dst(%dma_wait3A_229 : memref<1024x1024xf32, #tpu.memory_space<any>>)
    } else {
    }
    %get3A_192 = arith.constant 0 : index
    %get3A_193 = arith.constant 0 : index
    %get3A_194 = vector.load %arg1[%get3A_192, %get3A_193] : memref<1024x16xf32, #tpu.memory_space<vmem>>, vector<1024x16xf32>
    %get3A_195 = arith.constant 0 : index
    %get3A_196 = arith.constant 5120 : index
    %get3A_197 = vector.load %arg2[%get3A_195, %get3A_196] : memref<16x6144xf32, #tpu.memory_space<vmem>>, vector<16x1024xf32>
    %dot_general3A_198 = arith.constant dense<0.000000e+00> : vector<1024x1024xf32>
    %dot_general3A_199 = tpu.matmul %get3A_194, %get3A_197, %dot_general3A_198 {dimension_numbers = #tpu.dot_dimension_numbers<[1], [0], [0], [1], [0, 0, 1, 1], [], []>, transpose_lhs_hint = false} : vector<1024x16xf32>, vector<16x1024xf32>, vector<1024x1024xf32> -> vector<1024x1024xf32>
    %swap3A_200 = arith.constant 5 : index
    %swap3A_201 = arith.constant 0 : index
    %swap3A_202 = arith.constant 0 : index
    %swap3A_203 = vector.load %arg5[%swap3A_200, %swap3A_201, %swap3A_202] : memref<6x1024x1024xf32, #tpu.memory_space<vmem>>, vector<1x1024x1024xf32>
    %swap3A_204 = vector.shape_cast %swap3A_203 : vector<1x1024x1024xf32> to vector<1024x1024xf32>
    %swap3A_205 = vector.shape_cast %dot_general3A_199 : vector<1024x1024xf32> to vector<1x1024x1024xf32>
    tpu.vector_store %arg5[%swap3A_200, %swap3A_201, %swap3A_202], %swap3A_205 {strides = array<i32>} : memref<6x1024x1024xf32, #tpu.memory_space<vmem>>, vector<1x1024x1024xf32>,
    %lt3A_206 = arith.constant 97 : i32
    %lt3A_207 = arith.cmpi slt, %add3A_181, %lt3A_206 : i32
    %convert_element_type3A_208 = arith.extui %lt3A_207 : i1 to i32
    %cond3A_209 = arith.constant 0 : i32
    %cond3A_210 = arith.cmpi ne, %convert_element_type3A_208, %cond3A_209 : i32
    scf.if %cond3A_210 {
      %mul3A_221 = arith.constant 1024 : i32
      %mul3A_222 = arith.muli %add3A_181, %mul3A_221 : i32
      %dma_start3A = arith.constant 5 : i32
      %dma_start3A_223 = arith.constant 5 : i32
      %dma_start3A_224 = tpu.memref_slice %arg6[%dma_start3A_223] : memref<6x!tpu.dma_semaphore, #tpu.memory_space<semaphore_mem>> -> memref<1x!tpu.dma_semaphore, #tpu.memory_space<semaphore_mem>>
      %dma_start3A_225 = tpu.memref_squeeze %dma_start3A_224 : memref<1x!tpu.dma_semaphore, #tpu.memory_space<semaphore_mem>> -> memref<!tpu.dma_semaphore, #tpu.memory_space<semaphore_mem>>
      %dma_start3A_226 = arith.constant 0 : i32
      %dma_start3A_227 = tpu.memref_slice %arg3[%dma_start3A_226, %mul3A_222] : memref<1024x100000xf32, #tpu.memory_space<any>> -> memref<1024x1024xf32, #tpu.memory_space<any>>
      %dma_start3A_228 = arith.constant 0 : i32
      %dma_start3A_229 = arith.constant 0 : i32
      %dma_start3A_230 = tpu.memref_slice %arg5[%dma_start3A, %dma_start3A_228, %dma_start3A_229] : memref<6x1024x1024xf32, #tpu.memory_space<vmem>> -> memref<1x1024x1024xf32, #tpu.memory_space<vmem>>
      %dma_start3A_231 = tpu.memref_squeeze %dma_start3A_230 : memref<1x1024x1024xf32, #tpu.memory_space<vmem>> -> memref<1024x1024xf32, #tpu.memory_space<vmem>>
      tpu.enqueue_dma source(%dma_start3A_231 : memref<1024x1024xf32, #tpu.memory_space<vmem>>) target(%dma_start3A_227 : memref<1024x1024xf32, #tpu.memory_space<any>>) target_semaphore(%dma_start3A_225 : memref<!tpu.dma_semaphore, #tpu.memory_space<semaphore_mem>>) {priority = 1 : i32}
    } else {
    }
    %eq3A_211 = arith.constant 97 : i32
    %eq3A_212 = arith.cmpi eq, %add3A_181, %eq3A_211 : i32
    %convert_element_type3A_213 = arith.extui %eq3A_212 : i1 to i32
    %cond3A_214 = arith.constant 0 : i32
    %cond3A_215 = arith.cmpi ne, %convert_element_type3A_213, %cond3A_214 : i32
    scf.if %cond3A_215 {
      %mul3A_221 = arith.constant 1024 : i32
      %mul3A_222 = arith.muli %add3A_181, %mul3A_221 : i32
      %dma_start3A = arith.constant 5 : i32
      %dma_start3A_223 = arith.constant 5 : i32
      %dma_start3A_224 = tpu.memref_slice %arg6[%dma_start3A_223] : memref<6x!tpu.dma_semaphore, #tpu.memory_space<semaphore_mem>> -> memref<1x!tpu.dma_semaphore, #tpu.memory_space<semaphore_mem>>
      %dma_start3A_225 = tpu.memref_squeeze %dma_start3A_224 : memref<1x!tpu.dma_semaphore, #tpu.memory_space<semaphore_mem>> -> memref<!tpu.dma_semaphore, #tpu.memory_space<semaphore_mem>>
      %dma_start3A_226 = arith.constant 0 : i32
      %dma_start3A_227 = tpu.memref_slice %arg3[%dma_start3A_226, %mul3A_222] : memref<1024x100000xf32, #tpu.memory_space<any>> -> memref<1024x768xf32, #tpu.memory_space<any>>
      %dma_start3A_228 = arith.constant 0 : i32
      %dma_start3A_229 = arith.constant 0 : i32
      %dma_start3A_230 = tpu.memref_slice %arg5[%dma_start3A, %dma_start3A_228, %dma_start3A_229] : memref<6x1024x1024xf32, #tpu.memory_space<vmem>> -> memref<1x1024x768xf32, #tpu.memory_space<vmem>>
      %dma_start3A_231 = tpu.memref_squeeze %dma_start3A_230 : memref<1x1024x768xf32, #tpu.memory_space<vmem>> -> memref<1024x768xf32, #tpu.memory_space<vmem>>
      tpu.enqueue_dma source(%dma_start3A_231 : memref<1024x768xf32, #tpu.memory_space<vmem>>) target(%dma_start3A_227 : memref<1024x768xf32, #tpu.memory_space<any>>) target_semaphore(%dma_start3A_225 : memref<!tpu.dma_semaphore, #tpu.memory_space<semaphore_mem>>) {priority = 1 : i32}
    } else {
    }
    %eq3A_216 = arith.constant 16 : i32
    %eq3A_217 = arith.cmpi eq, %arg0, %eq3A_216 : i32
    %convert_element_type3A_218 = arith.extui %eq3A_217 : i1 to i32
    %cond3A_219 = arith.constant 0 : i32
    %cond3A_220 = arith.cmpi ne, %convert_element_type3A_218, %cond3A_219 : i32
    scf.if %cond3A_220 {
      %mul3A_221 = arith.constant 6 : i32
      %mul3A_222 = arith.muli %arg0, %mul3A_221 : i32
      %add3A_223 = arith.constant 0 : i32
      %add3A_224 = arith.addi %mul3A_222, %add3A_223 : i32
      %lt3A_225 = arith.constant 97 : i32
      %lt3A_226 = arith.cmpi slt, %add3A_224, %lt3A_225 : i32
      %convert_element_type3A_227 = arith.extui %lt3A_226 : i1 to i32
      %cond3A_228 = arith.constant 0 : i32
      %cond3A_229 = arith.cmpi ne, %convert_element_type3A_227, %cond3A_228 : i32
      scf.if %cond3A_229 {
        %mul3A_305 = arith.constant 1024 : i32
        %mul3A_306 = arith.muli %add3A_224, %mul3A_305 : i32
        %dma_wait3A = arith.constant 0 : i32
        %dma_wait3A_307 = arith.constant 0 : i32
        %dma_wait3A_308 = tpu.memref_slice %arg6[%dma_wait3A_307] : memref<6x!tpu.dma_semaphore, #tpu.memory_space<semaphore_mem>> -> memref<1x!tpu.dma_semaphore, #tpu.memory_space<semaphore_mem>>
        %dma_wait3A_309 = tpu.memref_squeeze %dma_wait3A_308 : memref<1x!tpu.dma_semaphore, #tpu.memory_space<semaphore_mem>> -> memref<!tpu.dma_semaphore, #tpu.memory_space<semaphore_mem>>
        %dma_wait3A_310 = arith.constant 0 : i32
        %dma_wait3A_311 = tpu.memref_slice %arg4[%dma_wait3A_310, %mul3A_306] : memref<1024x100000xf32, #tpu.memory_space<any>> -> memref<1024x1024xf32, #tpu.memory_space<any>>
        %dma_wait3A_312 = arith.constant 0 : i32
        %dma_wait3A_313 = arith.constant 0 : i32
        %dma_wait3A_314 = tpu.memref_slice %arg5[%dma_wait3A, %dma_wait3A_312, %dma_wait3A_313] : memref<6x1024x1024xf32, #tpu.memory_space<vmem>> -> memref<1x1024x1024xf32, #tpu.memory_space<vmem>>
        %dma_wait3A_315 = tpu.memref_squeeze %dma_wait3A_314 : memref<1x1024x1024xf32, #tpu.memory_space<vmem>> -> memref<1024x1024xf32, #tpu.memory_space<vmem>>
        tpu.wait_dma2 semaphore(%dma_wait3A_309 : memref<!tpu.dma_semaphore, #tpu.memory_space<semaphore_mem>>) src(%dma_wait3A_315 : memref<1024x1024xf32, #tpu.memory_space<vmem>>) dst(%dma_wait3A_311 : memref<1024x1024xf32, #tpu.memory_space<any>>)
      } else {
      }
      %eq3A_230 = arith.constant 97 : i32
      %eq3A_231 = arith.cmpi eq, %add3A_224, %eq3A_230 : i32
      %convert_element_type3A_232 = arith.extui %eq3A_231 : i1 to i32
      %cond3A_233 = arith.constant 0 : i32
      %cond3A_234 = arith.cmpi ne, %convert_element_type3A_232, %cond3A_233 : i32
      scf.if %cond3A_234 {
        %mul3A_305 = arith.constant 1024 : i32
        %mul3A_306 = arith.muli %add3A_224, %mul3A_305 : i32
        %dma_wait3A = arith.constant 0 : i32
        %dma_wait3A_307 = arith.constant 0 : i32
        %dma_wait3A_308 = tpu.memref_slice %arg6[%dma_wait3A_307] : memref<6x!tpu.dma_semaphore, #tpu.memory_space<semaphore_mem>> -> memref<1x!tpu.dma_semaphore, #tpu.memory_space<semaphore_mem>>
        %dma_wait3A_309 = tpu.memref_squeeze %dma_wait3A_308 : memref<1x!tpu.dma_semaphore, #tpu.memory_space<semaphore_mem>> -> memref<!tpu.dma_semaphore, #tpu.memory_space<semaphore_mem>>
        %dma_wait3A_310 = arith.constant 0 : i32
        %dma_wait3A_311 = tpu.memref_slice %arg4[%dma_wait3A_310, %mul3A_306] : memref<1024x100000xf32, #tpu.memory_space<any>> -> memref<1024x768xf32, #tpu.memory_space<any>>
        %dma_wait3A_312 = arith.constant 0 : i32
        %dma_wait3A_313 = arith.constant 0 : i32
        %dma_wait3A_314 = tpu.memref_slice %arg5[%dma_wait3A, %dma_wait3A_312, %dma_wait3A_313] : memref<6x1024x1024xf32, #tpu.memory_space<vmem>> -> memref<1x1024x768xf32, #tpu.memory_space<vmem>>
        %dma_wait3A_315 = tpu.memref_squeeze %dma_wait3A_314 : memref<1x1024x768xf32, #tpu.memory_space<vmem>> -> memref<1024x768xf32, #tpu.memory_space<vmem>>
        tpu.wait_dma2 semaphore(%dma_wait3A_309 : memref<!tpu.dma_semaphore, #tpu.memory_space<semaphore_mem>>) src(%dma_wait3A_315 : memref<1024x768xf32, #tpu.memory_space<vmem>>) dst(%dma_wait3A_311 : memref<1024x768xf32, #tpu.memory_space<any>>)
      } else {
      }
      %mul3A_235 = arith.constant 6 : i32
      %mul3A_236 = arith.muli %arg0, %mul3A_235 : i32
      %add3A_237 = arith.constant 1 : i32
      %add3A_238 = arith.addi %mul3A_236, %add3A_237 : i32
      %lt3A_239 = arith.constant 97 : i32
      %lt3A_240 = arith.cmpi slt, %add3A_238, %lt3A_239 : i32
      %convert_element_type3A_241 = arith.extui %lt3A_240 : i1 to i32
      %cond3A_242 = arith.constant 0 : i32
      %cond3A_243 = arith.cmpi ne, %convert_element_type3A_241, %cond3A_242 : i32
      scf.if %cond3A_243 {
        %mul3A_305 = arith.constant 1024 : i32
        %mul3A_306 = arith.muli %add3A_238, %mul3A_305 : i32
        %dma_wait3A = arith.constant 1 : i32
        %dma_wait3A_307 = arith.constant 1 : i32
        %dma_wait3A_308 = tpu.memref_slice %arg6[%dma_wait3A_307] : memref<6x!tpu.dma_semaphore, #tpu.memory_space<semaphore_mem>> -> memref<1x!tpu.dma_semaphore, #tpu.memory_space<semaphore_mem>>
        %dma_wait3A_309 = tpu.memref_squeeze %dma_wait3A_308 : memref<1x!tpu.dma_semaphore, #tpu.memory_space<semaphore_mem>> -> memref<!tpu.dma_semaphore, #tpu.memory_space<semaphore_mem>>
        %dma_wait3A_310 = arith.constant 0 : i32
        %dma_wait3A_311 = tpu.memref_slice %arg3[%dma_wait3A_310, %mul3A_306] : memref<1024x100000xf32, #tpu.memory_space<any>> -> memref<1024x1024xf32, #tpu.memory_space<any>>
        %dma_wait3A_312 = arith.constant 0 : i32
        %dma_wait3A_313 = arith.constant 0 : i32
        %dma_wait3A_314 = tpu.memref_slice %arg5[%dma_wait3A, %dma_wait3A_312, %dma_wait3A_313] : memref<6x1024x1024xf32, #tpu.memory_space<vmem>> -> memref<1x1024x1024xf32, #tpu.memory_space<vmem>>
        %dma_wait3A_315 = tpu.memref_squeeze %dma_wait3A_314 : memref<1x1024x1024xf32, #tpu.memory_space<vmem>> -> memref<1024x1024xf32, #tpu.memory_space<vmem>>
        tpu.wait_dma2 semaphore(%dma_wait3A_309 : memref<!tpu.dma_semaphore, #tpu.memory_space<semaphore_mem>>) src(%dma_wait3A_315 : memref<1024x1024xf32, #tpu.memory_space<vmem>>) dst(%dma_wait3A_311 : memref<1024x1024xf32, #tpu.memory_space<any>>)
      } else {
      }
      %eq3A_244 = arith.constant 97 : i32
      %eq3A_245 = arith.cmpi eq, %add3A_238, %eq3A_244 : i32
      %convert_element_type3A_246 = arith.extui %eq3A_245 : i1 to i32
      %cond3A_247 = arith.constant 0 : i32
      %cond3A_248 = arith.cmpi ne, %convert_element_type3A_246, %cond3A_247 : i32
      scf.if %cond3A_248 {
        %mul3A_305 = arith.constant 1024 : i32
        %mul3A_306 = arith.muli %add3A_238, %mul3A_305 : i32
        %dma_wait3A = arith.constant 1 : i32
        %dma_wait3A_307 = arith.constant 1 : i32
        %dma_wait3A_308 = tpu.memref_slice %arg6[%dma_wait3A_307] : memref<6x!tpu.dma_semaphore, #tpu.memory_space<semaphore_mem>> -> memref<1x!tpu.dma_semaphore, #tpu.memory_space<semaphore_mem>>
        %dma_wait3A_309 = tpu.memref_squeeze %dma_wait3A_308 : memref<1x!tpu.dma_semaphore, #tpu.memory_space<semaphore_mem>> -> memref<!tpu.dma_semaphore, #tpu.memory_space<semaphore_mem>>
        %dma_wait3A_310 = arith.constant 0 : i32
        %dma_wait3A_311 = tpu.memref_slice %arg3[%dma_wait3A_310, %mul3A_306] : memref<1024x100000xf32, #tpu.memory_space<any>> -> memref<1024x768xf32, #tpu.memory_space<any>>
        %dma_wait3A_312 = arith.constant 0 : i32
        %dma_wait3A_313 = arith.constant 0 : i32
        %dma_wait3A_314 = tpu.memref_slice %arg5[%dma_wait3A, %dma_wait3A_312, %dma_wait3A_313] : memref<6x1024x1024xf32, #tpu.memory_space<vmem>> -> memref<1x1024x768xf32, #tpu.memory_space<vmem>>
        %dma_wait3A_315 = tpu.memref_squeeze %dma_wait3A_314 : memref<1x1024x768xf32, #tpu.memory_space<vmem>> -> memref<1024x768xf32, #tpu.memory_space<vmem>>
        tpu.wait_dma2 semaphore(%dma_wait3A_309 : memref<!tpu.dma_semaphore, #tpu.memory_space<semaphore_mem>>) src(%dma_wait3A_315 : memref<1024x768xf32, #tpu.memory_space<vmem>>) dst(%dma_wait3A_311 : memref<1024x768xf32, #tpu.memory_space<any>>)
      } else {
      }
      %mul3A_249 = arith.constant 6 : i32
      %mul3A_250 = arith.muli %arg0, %mul3A_249 : i32
      %add3A_251 = arith.constant 2 : i32
      %add3A_252 = arith.addi %mul3A_250, %add3A_251 : i32
      %lt3A_253 = arith.constant 97 : i32
      %lt3A_254 = arith.cmpi slt, %add3A_252, %lt3A_253 : i32
      %convert_element_type3A_255 = arith.extui %lt3A_254 : i1 to i32
      %cond3A_256 = arith.constant 0 : i32
      %cond3A_257 = arith.cmpi ne, %convert_element_type3A_255, %cond3A_256 : i32
      scf.if %cond3A_257 {
        %mul3A_305 = arith.constant 1024 : i32
        %mul3A_306 = arith.muli %add3A_252, %mul3A_305 : i32
        %dma_wait3A = arith.constant 2 : i32
        %dma_wait3A_307 = arith.constant 2 : i32
        %dma_wait3A_308 = tpu.memref_slice %arg6[%dma_wait3A_307] : memref<6x!tpu.dma_semaphore, #tpu.memory_space<semaphore_mem>> -> memref<1x!tpu.dma_semaphore, #tpu.memory_space<semaphore_mem>>
        %dma_wait3A_309 = tpu.memref_squeeze %dma_wait3A_308 : memref<1x!tpu.dma_semaphore, #tpu.memory_space<semaphore_mem>> -> memref<!tpu.dma_semaphore, #tpu.memory_space<semaphore_mem>>
        %dma_wait3A_310 = arith.constant 0 : i32
        %dma_wait3A_311 = tpu.memref_slice %arg4[%dma_wait3A_310, %mul3A_306] : memref<1024x100000xf32, #tpu.memory_space<any>> -> memref<1024x1024xf32, #tpu.memory_space<any>>
        %dma_wait3A_312 = arith.constant 0 : i32
        %dma_wait3A_313 = arith.constant 0 : i32
        %dma_wait3A_314 = tpu.memref_slice %arg5[%dma_wait3A, %dma_wait3A_312, %dma_wait3A_313] : memref<6x1024x1024xf32, #tpu.memory_space<vmem>> -> memref<1x1024x1024xf32, #tpu.memory_space<vmem>>
        %dma_wait3A_315 = tpu.memref_squeeze %dma_wait3A_314 : memref<1x1024x1024xf32, #tpu.memory_space<vmem>> -> memref<1024x1024xf32, #tpu.memory_space<vmem>>
        tpu.wait_dma2 semaphore(%dma_wait3A_309 : memref<!tpu.dma_semaphore, #tpu.memory_space<semaphore_mem>>) src(%dma_wait3A_315 : memref<1024x1024xf32, #tpu.memory_space<vmem>>) dst(%dma_wait3A_311 : memref<1024x1024xf32, #tpu.memory_space<any>>)
      } else {
      }
      %eq3A_258 = arith.constant 97 : i32
      %eq3A_259 = arith.cmpi eq, %add3A_252, %eq3A_258 : i32
      %convert_element_type3A_260 = arith.extui %eq3A_259 : i1 to i32
      %cond3A_261 = arith.constant 0 : i32
      %cond3A_262 = arith.cmpi ne, %convert_element_type3A_260, %cond3A_261 : i32
      scf.if %cond3A_262 {
        %mul3A_305 = arith.constant 1024 : i32
        %mul3A_306 = arith.muli %add3A_252, %mul3A_305 : i32
        %dma_wait3A = arith.constant 2 : i32
        %dma_wait3A_307 = arith.constant 2 : i32
        %dma_wait3A_308 = tpu.memref_slice %arg6[%dma_wait3A_307] : memref<6x!tpu.dma_semaphore, #tpu.memory_space<semaphore_mem>> -> memref<1x!tpu.dma_semaphore, #tpu.memory_space<semaphore_mem>>
        %dma_wait3A_309 = tpu.memref_squeeze %dma_wait3A_308 : memref<1x!tpu.dma_semaphore, #tpu.memory_space<semaphore_mem>> -> memref<!tpu.dma_semaphore, #tpu.memory_space<semaphore_mem>>
        %dma_wait3A_310 = arith.constant 0 : i32
        %dma_wait3A_311 = tpu.memref_slice %arg4[%dma_wait3A_310, %mul3A_306] : memref<1024x100000xf32, #tpu.memory_space<any>> -> memref<1024x768xf32, #tpu.memory_space<any>>
        %dma_wait3A_312 = arith.constant 0 : i32
        %dma_wait3A_313 = arith.constant 0 : i32
        %dma_wait3A_314 = tpu.memref_slice %arg5[%dma_wait3A, %dma_wait3A_312, %dma_wait3A_313] : memref<6x1024x1024xf32, #tpu.memory_space<vmem>> -> memref<1x1024x768xf32, #tpu.memory_space<vmem>>
        %dma_wait3A_315 = tpu.memref_squeeze %dma_wait3A_314 : memref<1x1024x768xf32, #tpu.memory_space<vmem>> -> memref<1024x768xf32, #tpu.memory_space<vmem>>
        tpu.wait_dma2 semaphore(%dma_wait3A_309 : memref<!tpu.dma_semaphore, #tpu.memory_space<semaphore_mem>>) src(%dma_wait3A_315 : memref<1024x768xf32, #tpu.memory_space<vmem>>) dst(%dma_wait3A_311 : memref<1024x768xf32, #tpu.memory_space<any>>)
      } else {
      }
      %mul3A_263 = arith.constant 6 : i32
      %mul3A_264 = arith.muli %arg0, %mul3A_263 : i32
      %add3A_265 = arith.constant 3 : i32
      %add3A_266 = arith.addi %mul3A_264, %add3A_265 : i32
      %lt3A_267 = arith.constant 97 : i32
      %lt3A_268 = arith.cmpi slt, %add3A_266, %lt3A_267 : i32
      %convert_element_type3A_269 = arith.extui %lt3A_268 : i1 to i32
      %cond3A_270 = arith.constant 0 : i32
      %cond3A_271 = arith.cmpi ne, %convert_element_type3A_269, %cond3A_270 : i32
      scf.if %cond3A_271 {
        %mul3A_305 = arith.constant 1024 : i32
        %mul3A_306 = arith.muli %add3A_266, %mul3A_305 : i32
        %dma_wait3A = arith.constant 3 : i32
        %dma_wait3A_307 = arith.constant 3 : i32
        %dma_wait3A_308 = tpu.memref_slice %arg6[%dma_wait3A_307] : memref<6x!tpu.dma_semaphore, #tpu.memory_space<semaphore_mem>> -> memref<1x!tpu.dma_semaphore, #tpu.memory_space<semaphore_mem>>
        %dma_wait3A_309 = tpu.memref_squeeze %dma_wait3A_308 : memref<1x!tpu.dma_semaphore, #tpu.memory_space<semaphore_mem>> -> memref<!tpu.dma_semaphore, #tpu.memory_space<semaphore_mem>>
        %dma_wait3A_310 = arith.constant 0 : i32
        %dma_wait3A_311 = tpu.memref_slice %arg3[%dma_wait3A_310, %mul3A_306] : memref<1024x100000xf32, #tpu.memory_space<any>> -> memref<1024x1024xf32, #tpu.memory_space<any>>
        %dma_wait3A_312 = arith.constant 0 : i32
        %dma_wait3A_313 = arith.constant 0 : i32
        %dma_wait3A_314 = tpu.memref_slice %arg5[%dma_wait3A, %dma_wait3A_312, %dma_wait3A_313] : memref<6x1024x1024xf32, #tpu.memory_space<vmem>> -> memref<1x1024x1024xf32, #tpu.memory_space<vmem>>
        %dma_wait3A_315 = tpu.memref_squeeze %dma_wait3A_314 : memref<1x1024x1024xf32, #tpu.memory_space<vmem>> -> memref<1024x1024xf32, #tpu.memory_space<vmem>>
        tpu.wait_dma2 semaphore(%dma_wait3A_309 : memref<!tpu.dma_semaphore, #tpu.memory_space<semaphore_mem>>) src(%dma_wait3A_315 : memref<1024x1024xf32, #tpu.memory_space<vmem>>) dst(%dma_wait3A_311 : memref<1024x1024xf32, #tpu.memory_space<any>>)
      } else {
      }
      %eq3A_272 = arith.constant 97 : i32
      %eq3A_273 = arith.cmpi eq, %add3A_266, %eq3A_272 : i32
      %convert_element_type3A_274 = arith.extui %eq3A_273 : i1 to i32
      %cond3A_275 = arith.constant 0 : i32
      %cond3A_276 = arith.cmpi ne, %convert_element_type3A_274, %cond3A_275 : i32
      scf.if %cond3A_276 {
        %mul3A_305 = arith.constant 1024 : i32
        %mul3A_306 = arith.muli %add3A_266, %mul3A_305 : i32
        %dma_wait3A = arith.constant 3 : i32
        %dma_wait3A_307 = arith.constant 3 : i32
        %dma_wait3A_308 = tpu.memref_slice %arg6[%dma_wait3A_307] : memref<6x!tpu.dma_semaphore, #tpu.memory_space<semaphore_mem>> -> memref<1x!tpu.dma_semaphore, #tpu.memory_space<semaphore_mem>>
        %dma_wait3A_309 = tpu.memref_squeeze %dma_wait3A_308 : memref<1x!tpu.dma_semaphore, #tpu.memory_space<semaphore_mem>> -> memref<!tpu.dma_semaphore, #tpu.memory_space<semaphore_mem>>
        %dma_wait3A_310 = arith.constant 0 : i32
        %dma_wait3A_311 = tpu.memref_slice %arg3[%dma_wait3A_310, %mul3A_306] : memref<1024x100000xf32, #tpu.memory_space<any>> -> memref<1024x768xf32, #tpu.memory_space<any>>
        %dma_wait3A_312 = arith.constant 0 : i32
        %dma_wait3A_313 = arith.constant 0 : i32
        %dma_wait3A_314 = tpu.memref_slice %arg5[%dma_wait3A, %dma_wait3A_312, %dma_wait3A_313] : memref<6x1024x1024xf32, #tpu.memory_space<vmem>> -> memref<1x1024x768xf32, #tpu.memory_space<vmem>>
        %dma_wait3A_315 = tpu.memref_squeeze %dma_wait3A_314 : memref<1x1024x768xf32, #tpu.memory_space<vmem>> -> memref<1024x768xf32, #tpu.memory_space<vmem>>
        tpu.wait_dma2 semaphore(%dma_wait3A_309 : memref<!tpu.dma_semaphore, #tpu.memory_space<semaphore_mem>>) src(%dma_wait3A_315 : memref<1024x768xf32, #tpu.memory_space<vmem>>) dst(%dma_wait3A_311 : memref<1024x768xf32, #tpu.memory_space<any>>)
      } else {
      }
      %mul3A_277 = arith.constant 6 : i32
      %mul3A_278 = arith.muli %arg0, %mul3A_277 : i32
      %add3A_279 = arith.constant 4 : i32
      %add3A_280 = arith.addi %mul3A_278, %add3A_279 : i32
      %lt3A_281 = arith.constant 97 : i32
      %lt3A_282 = arith.cmpi slt, %add3A_280, %lt3A_281 : i32
      %convert_element_type3A_283 = arith.extui %lt3A_282 : i1 to i32
      %cond3A_284 = arith.constant 0 : i32
      %cond3A_285 = arith.cmpi ne, %convert_element_type3A_283, %cond3A_284 : i32
      scf.if %cond3A_285 {
        %mul3A_305 = arith.constant 1024 : i32
        %mul3A_306 = arith.muli %add3A_280, %mul3A_305 : i32
        %dma_wait3A = arith.constant 4 : i32
        %dma_wait3A_307 = arith.constant 4 : i32
        %dma_wait3A_308 = tpu.memref_slice %arg6[%dma_wait3A_307] : memref<6x!tpu.dma_semaphore, #tpu.memory_space<semaphore_mem>> -> memref<1x!tpu.dma_semaphore, #tpu.memory_space<semaphore_mem>>
        %dma_wait3A_309 = tpu.memref_squeeze %dma_wait3A_308 : memref<1x!tpu.dma_semaphore, #tpu.memory_space<semaphore_mem>> -> memref<!tpu.dma_semaphore, #tpu.memory_space<semaphore_mem>>
        %dma_wait3A_310 = arith.constant 0 : i32
        %dma_wait3A_311 = tpu.memref_slice %arg4[%dma_wait3A_310, %mul3A_306] : memref<1024x100000xf32, #tpu.memory_space<any>> -> memref<1024x1024xf32, #tpu.memory_space<any>>
        %dma_wait3A_312 = arith.constant 0 : i32
        %dma_wait3A_313 = arith.constant 0 : i32
        %dma_wait3A_314 = tpu.memref_slice %arg5[%dma_wait3A, %dma_wait3A_312, %dma_wait3A_313] : memref<6x1024x1024xf32, #tpu.memory_space<vmem>> -> memref<1x1024x1024xf32, #tpu.memory_space<vmem>>
        %dma_wait3A_315 = tpu.memref_squeeze %dma_wait3A_314 : memref<1x1024x1024xf32, #tpu.memory_space<vmem>> -> memref<1024x1024xf32, #tpu.memory_space<vmem>>
        tpu.wait_dma2 semaphore(%dma_wait3A_309 : memref<!tpu.dma_semaphore, #tpu.memory_space<semaphore_mem>>) src(%dma_wait3A_315 : memref<1024x1024xf32, #tpu.memory_space<vmem>>) dst(%dma_wait3A_311 : memref<1024x1024xf32, #tpu.memory_space<any>>)
      } else {
      }
      %eq3A_286 = arith.constant 97 : i32
      %eq3A_287 = arith.cmpi eq, %add3A_280, %eq3A_286 : i32
      %convert_element_type3A_288 = arith.extui %eq3A_287 : i1 to i32
      %cond3A_289 = arith.constant 0 : i32
      %cond3A_290 = arith.cmpi ne, %convert_element_type3A_288, %cond3A_289 : i32
      scf.if %cond3A_290 {
        %mul3A_305 = arith.constant 1024 : i32
        %mul3A_306 = arith.muli %add3A_280, %mul3A_305 : i32
        %dma_wait3A = arith.constant 4 : i32
        %dma_wait3A_307 = arith.constant 4 : i32
        %dma_wait3A_308 = tpu.memref_slice %arg6[%dma_wait3A_307] : memref<6x!tpu.dma_semaphore, #tpu.memory_space<semaphore_mem>> -> memref<1x!tpu.dma_semaphore, #tpu.memory_space<semaphore_mem>>
        %dma_wait3A_309 = tpu.memref_squeeze %dma_wait3A_308 : memref<1x!tpu.dma_semaphore, #tpu.memory_space<semaphore_mem>> -> memref<!tpu.dma_semaphore, #tpu.memory_space<semaphore_mem>>
        %dma_wait3A_310 = arith.constant 0 : i32
        %dma_wait3A_311 = tpu.memref_slice %arg4[%dma_wait3A_310, %mul3A_306] : memref<1024x100000xf32, #tpu.memory_space<any>> -> memref<1024x768xf32, #tpu.memory_space<any>>
        %dma_wait3A_312 = arith.constant 0 : i32
        %dma_wait3A_313 = arith.constant 0 : i32
        %dma_wait3A_314 = tpu.memref_slice %arg5[%dma_wait3A, %dma_wait3A_312, %dma_wait3A_313] : memref<6x1024x1024xf32, #tpu.memory_space<vmem>> -> memref<1x1024x768xf32, #tpu.memory_space<vmem>>
        %dma_wait3A_315 = tpu.memref_squeeze %dma_wait3A_314 : memref<1x1024x768xf32, #tpu.memory_space<vmem>> -> memref<1024x768xf32, #tpu.memory_space<vmem>>
        tpu.wait_dma2 semaphore(%dma_wait3A_309 : memref<!tpu.dma_semaphore, #tpu.memory_space<semaphore_mem>>) src(%dma_wait3A_315 : memref<1024x768xf32, #tpu.memory_space<vmem>>) dst(%dma_wait3A_311 : memref<1024x768xf32, #tpu.memory_space<any>>)
      } else {
      }
      %mul3A_291 = arith.constant 6 : i32
      %mul3A_292 = arith.muli %arg0, %mul3A_291 : i32
      %add3A_293 = arith.constant 5 : i32
      %add3A_294 = arith.addi %mul3A_292, %add3A_293 : i32
      %lt3A_295 = arith.constant 97 : i32
      %lt3A_296 = arith.cmpi slt, %add3A_294, %lt3A_295 : i32
      %convert_element_type3A_297 = arith.extui %lt3A_296 : i1 to i32
      %cond3A_298 = arith.constant 0 : i32
      %cond3A_299 = arith.cmpi ne, %convert_element_type3A_297, %cond3A_298 : i32
      scf.if %cond3A_299 {
        %mul3A_305 = arith.constant 1024 : i32
        %mul3A_306 = arith.muli %add3A_294, %mul3A_305 : i32
        %dma_wait3A = arith.constant 5 : i32
        %dma_wait3A_307 = arith.constant 5 : i32
        %dma_wait3A_308 = tpu.memref_slice %arg6[%dma_wait3A_307] : memref<6x!tpu.dma_semaphore, #tpu.memory_space<semaphore_mem>> -> memref<1x!tpu.dma_semaphore, #tpu.memory_space<semaphore_mem>>
        %dma_wait3A_309 = tpu.memref_squeeze %dma_wait3A_308 : memref<1x!tpu.dma_semaphore, #tpu.memory_space<semaphore_mem>> -> memref<!tpu.dma_semaphore, #tpu.memory_space<semaphore_mem>>
        %dma_wait3A_310 = arith.constant 0 : i32
        %dma_wait3A_311 = tpu.memref_slice %arg3[%dma_wait3A_310, %mul3A_306] : memref<1024x100000xf32, #tpu.memory_space<any>> -> memref<1024x1024xf32, #tpu.memory_space<any>>
        %dma_wait3A_312 = arith.constant 0 : i32
        %dma_wait3A_313 = arith.constant 0 : i32
        %dma_wait3A_314 = tpu.memref_slice %arg5[%dma_wait3A, %dma_wait3A_312, %dma_wait3A_313] : memref<6x1024x1024xf32, #tpu.memory_space<vmem>> -> memref<1x1024x1024xf32, #tpu.memory_space<vmem>>
        %dma_wait3A_315 = tpu.memref_squeeze %dma_wait3A_314 : memref<1x1024x1024xf32, #tpu.memory_space<vmem>> -> memref<1024x1024xf32, #tpu.memory_space<vmem>>
        tpu.wait_dma2 semaphore(%dma_wait3A_309 : memref<!tpu.dma_semaphore, #tpu.memory_space<semaphore_mem>>) src(%dma_wait3A_315 : memref<1024x1024xf32, #tpu.memory_space<vmem>>) dst(%dma_wait3A_311 : memref<1024x1024xf32, #tpu.memory_space<any>>)
      } else {
      }
      %eq3A_300 = arith.constant 97 : i32
      %eq3A_301 = arith.cmpi eq, %add3A_294, %eq3A_300 : i32
      %convert_element_type3A_302 = arith.extui %eq3A_301 : i1 to i32
      %cond3A_303 = arith.constant 0 : i32
      %cond3A_304 = arith.cmpi ne, %convert_element_type3A_302, %cond3A_303 : i32
      scf.if %cond3A_304 {
        %mul3A_305 = arith.constant 1024 : i32
        %mul3A_306 = arith.muli %add3A_294, %mul3A_305 : i32
        %dma_wait3A = arith.constant 5 : i32
        %dma_wait3A_307 = arith.constant 5 : i32
        %dma_wait3A_308 = tpu.memref_slice %arg6[%dma_wait3A_307] : memref<6x!tpu.dma_semaphore, #tpu.memory_space<semaphore_mem>> -> memref<1x!tpu.dma_semaphore, #tpu.memory_space<semaphore_mem>>
        %dma_wait3A_309 = tpu.memref_squeeze %dma_wait3A_308 : memref<1x!tpu.dma_semaphore, #tpu.memory_space<semaphore_mem>> -> memref<!tpu.dma_semaphore, #tpu.memory_space<semaphore_mem>>
        %dma_wait3A_310 = arith.constant 0 : i32
        %dma_wait3A_311 = tpu.memref_slice %arg3[%dma_wait3A_310, %mul3A_306] : memref<1024x100000xf32, #tpu.memory_space<any>> -> memref<1024x768xf32, #tpu.memory_space<any>>
        %dma_wait3A_312 = arith.constant 0 : i32
        %dma_wait3A_313 = arith.constant 0 : i32
        %dma_wait3A_314 = tpu.memref_slice %arg5[%dma_wait3A, %dma_wait3A_312, %dma_wait3A_313] : memref<6x1024x1024xf32, #tpu.memory_space<vmem>> -> memref<1x1024x768xf32, #tpu.memory_space<vmem>>
        %dma_wait3A_315 = tpu.memref_squeeze %dma_wait3A_314 : memref<1x1024x768xf32, #tpu.memory_space<vmem>> -> memref<1024x768xf32, #tpu.memory_space<vmem>>
        tpu.wait_dma2 semaphore(%dma_wait3A_309 : memref<!tpu.dma_semaphore, #tpu.memory_space<semaphore_mem>>) src(%dma_wait3A_315 : memref<1024x768xf32, #tpu.memory_space<vmem>>) dst(%dma_wait3A_311 : memref<1024x768xf32, #tpu.memory_space<any>>)
      } else {
      }
    } else {
    }
    return
  }
  func.func @transform_0(%arg0: i32) -> (i32, i32) {
    %c0_i32 = arith.constant 0 : i32
    %c0_i32_0 = arith.constant 0 : i32
    %c0_i32_1 = arith.constant 0 : i32
    return %c0_i32, %c0_i32_0 : i32, i32
  }
  func.func @transform_1(%arg0: i32) -> (i32, i32) {
    %c0_i32 = arith.constant 0 : i32
    %c0_i32_0 = arith.constant 0 : i32
    return %c0_i32, %arg0 : i32, i32
  }
}

</mosaic_0001>

<sc_bundles>
// kernel: kernel.4.cloned.1.call-start
scs
__scs_entry_jumppad:
0x0: {  	(pc) =	sbr.rel $0x88, $3  }
0x1: {  	(tag) =	ssettag $0x0;
	lr =	simm.s32 $0x1  }
0x2: {  	[smem:$0x3F9E] =	sst lr;
	_ =	strace $0xD0000000  }
0x3: {  	_ = 	snop  }
0x4: {  	_ = 	snop  }
0x5: {  	_ = 	snop  }
0x6: {  	_ = 	snop  }
0x7: {  	_ = 	snop  }
__scs_overlays_trampoline_lowered:
0x8: {  	[smem:$0x3FAD] =	sst s0  }
0x9: {  	[smem:$0x3FAE] =	sst s1  }
0xa: {  	[smem:$0x3FAF] =	sst s2  }
0xb: {  	[smem:$0x3FB0] =	sst s3  }
0xc: {  	[smem:$0x3FB1] =	sst s4  }
0xd: {  	[smem:$0x3FB2] =	sst s5  }
0xe: {  	[smem:$0x3FB3] =	sst s6  }
0xf: {  	[smem:$0x3FB4] =	sst s7  }
0x10: {  	[smem:$0x3FB5] =	sst s8  }
0x11: {  	[smem:$0x3FB6] =	sst s9;
	s0 =	simm.s32 @!p0 $0x0  }
0x12: {  	s1 =	sld [smem:$0x3F9C];
	s0 =	simm.s32 @p0 $0x1  }
0x13: {  	[smem:$0x3FB7] =	sst s0;
	s0 =	simm.s32 @!p1 $0x0  }
0x14: {  	s2 =	sld [smem:$0x3F9B];
	s0 =	simm.s32 @p1 $0x1  }
0x15: {  	[smem:$0x3FB8] =	sst s0;
	s0 =	simm.s32 @!p2 $0x0  }
0x16: {  	s3 =	sld [smem:$0x3FDB];
	s0 =	simm.s32 @p2 $0x1  }
0x17: {  	s4 =	simm.s32 $0x1BF5;
	[smem:$0x3FBA] =	sst s0  }
0x18: {  	s0 =	sld [smem:$0x3F9D];
	_ =	swait.ge [sflag:s4], $0x0  }
0x19: {  	s7 =	sld [smem:$0x3F9E]  }
0x1a: {  	s8 =	sadd.s32 $0xFFFFE003, lr  }
0x1b: {  	s9 =	sadd.s32 $0xFFFFFEF7, lr;
	s5 =	simm.s32 $0xFFFFFFFF;
	p2 =	slt.u32 s8, $0xFFFFF086  }
0x1c: {  	p1 =	slt.u32 s9, $0xF7A;
	s5 =	simm.s32 @!p2 $0x0  }
0x1d: {  	s5 =	simm.s32 @p1 $0x1;
	p0 =	seq.s32 s7, s2  }
0x1e: {  	s7 =	smul.u32 @!p0 $0xF7A, s2;
	p2 =	seq.s32 @!p0 s5, $0x0  }
0x1f: {  	s9 =	smul.u32 $0xF7A, s1;
	s8 =	simm.s32 @!p0 $0x1BF5;
	p2 =	por !p2, p0  }
0x20: {  	[sflag:s8] =	ssyncset.s32 @!p0 $0xFFFFF086;
	s6 =	sadd.s32 @!p0 s3, s7;
	s7 =	simm.s32 @!p0 $0x108  }
0x21: {  	s3 =	sadd.s32 s3, s9;
	s6 =	sadd.s32 @!p0 $0x88, s6;
	s7 =	simm.s32 @p2 $0x1082  }
0x22: {  	[simem:s7], [sflag:s8] =	dma.local @!p0 [hbm:s6], $0xF7A  }
0x23: {  	s9 =	sor.u32 $0xD0000000, s2;
	s6 =	simm.s32 $0x108;
	_ =	swait.ge @!p0 [sflag:s8], $0x0  }
0x24: {  	s3 =	sadd.s32 $0x88, s3;
	s6 =	simm.s32 @!p1 $0x1082;
	[sflag:s4] =	ssyncset.s32 $0xFFFFF086  }
0x25: {  	[simem:s6], [sflag:s4] =	dma.local [hbm:s3], $0xF7A  }
0x26: {  	[smem:$0x3F9E] =	sst s1;
	(tag) =	ssettag s2;
	_ =	strace s9  }
0x27: {  	s1 =	sld [smem:$0x3FAE]  }
0x28: {  	s2 =	sld [smem:$0x3FAF]  }
0x29: {  	s4 =	sld [smem:$0x3FB1]  }
0x2a: {  	p0 =	seq.s32 s5, $0x0;
	s5 =	sld [smem:$0x3FB2]  }
0x2b: {  	s6 =	sld [smem:$0x3FB3]  }
0x2c: {  	s7 =	sld [smem:$0x3FB4]  }
0x2d: {  	s3 =	simm.s32 $0x108;
	s8 =	sld [smem:$0x3FB5]  }
0x2e: {  	s3 =	simm.s32 @!p0 $0x1082;
	s9 =	sld [smem:$0x3FB6]  }
0x2f: {  	lr =	sadd.s32 s0, s3;
	s0 =	sld [smem:$0x3FAD]  }
0x30: {  	s3 =	sld [smem:$0x3FB0]  }
0x31: {  	[smem:$0x3FB9] =	sst s10  }
0x32: {  	s10 =	sld [smem:$0x3FB7];
	_ =	sdelay $0x3  }
0x33: {  	p0 =	seq.s32 s10, $0x1;
	s10 =	sld [smem:$0x3FB9];
	_ =	sdelay $0x3  }
0x34: {  	[smem:$0x3FB9] =	sst s10  }
0x35: {  	s10 =	sld [smem:$0x3FB8];
	_ =	sdelay $0x3  }
0x36: {  	p1 =	seq.s32 s10, $0x1;
	s10 =	sld [smem:$0x3FB9];
	_ =	sdelay $0x3  }
0x37: {  	[smem:$0x3FB9] =	sst s10  }
0x38: {  	s10 =	sld [smem:$0x3FBA]  }
0x39: {  	_ = 	snop;
	(pc) =	sbr.ind lr, $3  }
0x3a: {  	_ = 	snop  }
0x3b: {  	_ = 	snop  }
0x3c: {  	p2 =	seq.s32 s10, $0x1;
	s10 =	sld [smem:$0x3FB9]  }
0x3d: {  	_ =	shalt  }
0x3e: {  	_ =	shalt  }
0x3f: {  	_ =	shalt  }
0x40: {  	_ =	shalt  }
0x41: {  	_ =	shalt  }
0x42: {  	_ =	shalt  }
0x43: {  	_ =	shalt  }
0x44: {  	_ =	shalt  }
0x45: {  	_ =	shalt  }
0x46: {  	_ =	shalt  }
0x47: {  	_ =	shalt  }
0x48: {  	_ =	shalt  }
0x49: {  	_ =	shalt  }
0x4a: {  	_ =	shalt  }
0x4b: {  	_ =	shalt  }
0x4c: {  	_ =	shalt  }
0x4d: {  	_ =	shalt  }
0x4e: {  	_ =	shalt  }
0x4f: {  	_ =	shalt  }
0x50: {  	_ =	shalt  }
0x51: {  	_ =	shalt  }
0x52: {  	_ =	shalt  }
0x53: {  	_ =	shalt  }
0x54: {  	_ =	shalt  }
0x55: {  	_ =	shalt  }
0x56: {  	_ =	shalt  }
0x57: {  	_ =	shalt  }
0x58: {  	_ =	shalt  }
0x59: {  	_ =	shalt  }
0x5a: {  	_ =	shalt  }
0x5b: {  	_ =	shalt  }
0x5c: {  	_ =	shalt  }
0x5d: {  	_ =	shalt  }
0x5e: {  	_ =	shalt  }
0x5f: {  	_ =	shalt  }
0x60: {  	_ =	shalt  }
0x61: {  	_ =	shalt  }
0x62: {  	_ =	shalt  }
0x63: {  	_ =	shalt  }
0x64: {  	_ =	shalt  }
0x65: {  	_ =	shalt  }
0x66: {  	_ =	shalt  }
0x67: {  	_ =	shalt  }
0x68: {  	_ =	shalt  }
0x69: {  	_ =	shalt  }
0x6a: {  	_ =	shalt  }
0x6b: {  	_ =	shalt  }
0x6c: {  	_ =	shalt  }
0x6d: {  	_ =	shalt  }
0x6e: {  	_ =	shalt  }
0x6f: {  	_ =	shalt  }
0x70: {  	_ =	shalt  }
0x71: {  	_ =	shalt  }
0x72: {  	_ =	shalt  }
0x73: {  	_ =	shalt  }
0x74: {  	_ =	shalt  }
0x75: {  	_ =	shalt  }
0x76: {  	_ =	shalt  }
0x77: {  	_ =	shalt  }
0x78: {  	_ =	shalt  }
0x79: {  	_ =	shalt  }
0x7a: {  	_ =	shalt  }
0x7b: {  	_ =	shalt  }
0x7c: {  	_ =	shalt  }
0x7d: {  	_ =	shalt  }
0x7e: {  	_ =	shalt  }
0x7f: {  	_ =	shalt  }
0x80: {  	_ =	shalt  }
0x81: {  	_ =	shalt  }
0x82: {  	_ =	shalt  }
0x83: {  	_ =	shalt  }
0x84: {  	_ =	shalt  }
0x85: {  	_ =	shalt  }
0x86: {  	_ =	shalt  }
0x87: {  	_ =	shalt  }
.Lfunc_end0:
.L_simem_size_0:
called_computation_lowered:
.L_overlay_start_0:
0x88: {  	s2 =	sld [smem:$0x3FD9]  }
0x89: {  	s3 =	sld [smem:$0x3FFE];
	_ =	sdelay $0x1  }
0x8a: {  	s1 =	srdreg.scid  }
0x8b: {  	s0 =	sand.u32 $0x1, s1  }
0x8c: {  	s16 =	sshll.u32 s0, $0xA;
	s2 =	sadd.s32 s3, s2  }
0x8d: {  	s2 =	sadd.s32 s2, s16  }
0x8e: {  	[smem:$0x3FC5] =	sst s2  }
0x8f: {  	_ = 	snop  }
0x90: {  	(tm) =	ssettm $0x1  }
0x91: {  	s17 =	sld [smem:$0x3FFB];
	_ =	sdelay $0x3  }
0x92: {  	_ =	strace s17  }
0x93: {  	s2 =	sld [smem:$0x3FFC];
	_ =	sdelay $0x3  }
0x94: {  	_ =	strace s2  }
0x95: {  	s2 =	sld [smem:$0x3FFD];
	_ =	sdelay $0x3  }
0x96: {  	_ =	strace s2  }
0x97: {  	_ =	strace $0x8FFFFFFF  }
0x98: {  	s18 =	sld [smem:$0x3FDB];
	_ =	sdelay $0x1  }
0x99: {  	s19 =	simm.s32 $_scs_section_size  }
0x9a: {  	s4 =	simm.s32 $_size__tile_overlayer_lowered;
	s5 =	simm.s32 $_tile_overlayer_lowered  }
0x9b: {  	s22 =	simm.s32 $0x1BFF;
	s21 =	sshll.u32 s5, $0x1;
	s2 =	sadd.s32 s19, s18  }
0x9c: {  	s6 =	simm.s32 $0x0;
	s20 =	sshll.u32 s4, $0x1;
	s4 =	sadd.s32 s21, s2  }
0x9d: {  	[timem:s6], [sflag:s22] =	dma.local [hbm:s4], s20  }
0x9e: {  	_ =	swait.ge [sflag:s22], s20  }
0x9f: {  	s3 =	ssub.s32 $0x0, s20;
	[sflag:s22] =	ssyncset.done $0x0  }
0xa0: {  	[sflag:s22] =	ssyncadd.s32 s3;
	_ =	sdelay $0x1  }
0xa1: {  	s23 =	simm.s32 $0x1B8B  }
0xa2: {  	_ =	swait.ge [sflag:s23], $0x1  }
0xa3: {  	[sflag:s23] =	ssyncset.done $0x0  }
0xa4: {  	s25 =	simm.s32 $0x1B8E;
	s24 =	sld [smem:$0x3FFE];
	[sflag:s23] =	ssyncadd.s32 $0xFFFFFFFF  }
0xa5: {  	s26 =	simm.s32 $execute0_lowered;
	[smem:$0x3FD2] =	sst s25  }
0xa6: {  	s4 =	sshll.u32 s26, $0x1;
	_ =	strace $0x80000046;
	[dreg:$0x1] =	wrdreg $0xFFFFFFFF  }
0xa7: {  	s28 =	simm.s32 $_size_execute0_lowered;
	s2 =	sadd.s32 s2, s4;
	[dreg:$0x0] =	wrdreg $0x0  }
0xa8: {  	s4 =	sshll.u32 s28, $0x1;
	[dreg:$0x2] =	wrdreg s2  }
0xa9: {  	[dreg:$0x3] =	wrdreg s4  }
0xaa: {  	[dreg:$0x4] =	wrdreg $0xC0  }
0xab: {  	_ =	task [dreg:s6], $0x5FFFF  }
0xac: {  	[dreg:$0x1] =	wrdreg $0xFFFFFFFF  }
0xad: {  	[dreg:$0x0] =	wrdreg $0x60  }
0xae: {  	[dreg:$0x2] =	wrdreg s24  }
0xaf: {  	[dreg:$0x3] =	wrdreg $0x9  }
0xb0: {  	_ =	task.clear_ibuf [dreg:s6], $0x4FFFF;
	_ =	strace $0x90000046  }
0xb1: {  	s29 =	simm.s32 $0x9;
	_ =	strace $0x80000048  }
0xb2: {  	_ =	swait.ge [sflag:s29], $0x1  }
0xb3: {  	[sflag:s29] =	ssyncadd.s32 $0xFFFFFFFF  }
0xb4: {  	_ =	strace $0x90000048  }
0xb5: {  	_ =	sfence  }
0xb6: {  	s30 =	sld [smem:$0x0];
	_ =	sdelay $0x2  }
0xb7: {  	s31 =	sshll.u32 s1, $0xD;
	s1 =	sshrl.u32 s1, $0x2  }
0xb8: {  	s3 =	sand.u32 $0x4000, s31;
	s1 =	sadd.s32 s1, s30  }
0xb9: {  	s0 =	sor.u32 s3, s0;
	s1 =	sshll.u32 s1, $0x11  }
0xba: {  	s0 =	sor.u32 s1, s0  }
0xbb: {  	s0 =	sadd.s32 $0x8F2B, s0  }
0xbc: {  	[sflag:s0] =	ssyncadd.remote.s32 $0x1  }
0xbd: {  	_ =	sfence.sel $0xFFFF  }
0xbe: {  	[dreg:$0x0] =	wrdreg $0xFFFFFFFF;
	(pc) =	sbr.abs _section_cstart, $3  }
0xbf: {  	[dreg:$0x1] =	wrdreg $0xFFFFFFFF  }
0xc0: {  	_ =	task.clear_ibuf [dreg:s6], $0x2FFFF;
	_ =	strace $0x9FFFFFFF  }
0xc1: {  	(tm) =	ssettm $0x7FFFFFFF  }
tec
execute0_lowered:
.L_overlay_start_1:
0x0: {  	(tag) =	ssettag $0x1  }
0x1: {  	s0 =	srdreg.scid  }
0x2: {  	s2 =	stileid.u32;
	s1 =	rddreg [dreg:$0x0]  }
0x3: {  	s7 =	simm.s32 $0x2;
	s8 =	simm.s32 $0x80;
	s17 =	simm.s32 $0x280  }
0x4: {  	s18 =	simm.s32 $0x2E40;
	s19 =	simm.s32 $0x300;
	s20 =	simm.s32 $0x3640  }
0x5: {  	s21 =	simm.s32 $0x380;
	s22 =	simm.s32 $0x3E40;
	s23 =	simm.s32 $0x400  }
0x6: {  	s24 =	simm.s32 $0x4640;
	s25 =	simm.s32 $0x480;
	s26 =	simm.s32 $0x4E40  }
0x7: {  	s28 =	simm.s32 $0x500;
	s29 =	simm.s32 $0x5640;
	s30 =	simm.s32 $0x580  }
0x8: {  	s31 =	simm.s32 $0x5E40;
	s9 =	simm.s32 $0x6640;
	s10 =	simm.s32 $0x1  }
0x9: {  	s11 =	simm.s32 $0x6A40;
	s0 =	sand.u32 $0x1, s0;
	s3 =	sshll.u32 s2, $0x1  }
0xa: {  	s12 =	simm.s32 $0x0;
	s2 =	simm.s32 $0x0;
	s3 =	sor.u32 s0, s3  }
0xb: {  	[smem:$0x7FF] =	sst s2;
	s0 =	ssub.s32 $0x2, s0;
	s4 =	smul.u32 $0xC8, s3  }
0xc: {  	_ =	strace $0x80000047;
	s5 =	sshll.u32 s3, $0x6;
	s6 =	sshrl.u32 s0, $0x1  }
0xd: {  	s3 =	sadd.s32 $0x2600, s1;
	s0 =	ssub.s32 s0, s6;
	s4 =	sadd.s32 s4, s1  }
0xe: {  	s1 =	sadd.s32 s5, s1;
	s6 =	smax.u32 s0, $0x1;
	s0 =	simm.s32 $0x600  }
0xf: {  	s4 =	sadd.s32 $0xC00, s4;
	s5 =	sadd.s32 $0x33400, s1;
	s1 =	simm.s32 $0x40  }
.LBB2_1:
0x10: {  	[tilespmem:s2], [sflag:$0x2] =	stream.linear.gather [hbm4b:s4+s2], $0x640, $0x38;
	[tilespmem:$0x6C40] =	vst v63  }
0x11: {  	_ =	swait.ge [sflag:s7], $0x640  }
0x12: {  	[sflag:s7] =	ssyncset.done $0x0  }
0x13: {  	s13 =	simm.s32 $0x640;
	[sflag:s7] =	ssyncadd.s32 $0xFFFFF9C0  }
0x14: {  	[tilespmem:s13], [sflag:$0x1] =	stream.indirect.gather [hbm4b:s3+s8], $0x10, s2, s8, $0xb8;
	[tilespmem:$0x6C40] =	vst v63  }
0x15: {  	s15 =	simm.s32 $0xE40  }
0x16: {  	[tilespmem:s15], [sflag:$0x1] =	stream.indirect.gather [hbm4b:s3+s8], $0x10, s8, s8, $0xb8;
	[tilespmem:$0x6C40] =	vst v63  }
0x17: {  	s16 =	simm.s32 $0x100;
	s14 =	simm.s32 $0x1640  }
0x18: {  	[tilespmem:s14], [sflag:$0x1] =	stream.indirect.gather [hbm4b:s3+s8], $0x10, s16, s8, $0xb8;
	[tilespmem:$0x6C40] =	vst v63  }
0x19: {  	s15 =	simm.s32 $0x180;
	s16 =	simm.s32 $0x1E40  }
0x1a: {  	[tilespmem:s16], [sflag:$0x1] =	stream.indirect.gather [hbm4b:s3+s8], $0x10, s15, s8, $0xb8;
	[tilespmem:$0x6C40] =	vst v63  }
0x1b: {  	s15 =	simm.s32 $0x200;
	s16 =	simm.s32 $0x2640  }
0x1c: {  	[tilespmem:s16], [sflag:$0x1] =	stream.indirect.gather [hbm4b:s3+s8], $0x10, s15, s8, $0xb8;
	[tilespmem:$0x6C40] =	vst v63  }
0x1d: {  	_ = 	snop  }
0x1e: {  	[tilespmem:s18], [sflag:$0x1] =	stream.indirect.gather [hbm4b:s3+s8], $0x10, s17, s8, $0xb8;
	[tilespmem:$0x6C40] =	vst v63  }
0x1f: {  	_ = 	snop  }
0x20: {  	[tilespmem:s20], [sflag:$0x1] =	stream.indirect.gather [hbm4b:s3+s8], $0x10, s19, s8, $0xb8;
	[tilespmem:$0x6C40] =	vst v63  }
0x21: {  	_ = 	snop  }
0x22: {  	[tilespmem:s22], [sflag:$0x1] =	stream.indirect.gather [hbm4b:s3+s8], $0x10, s21, s8, $0xb8;
	[tilespmem:$0x6C40] =	vst v63  }
0x23: {  	_ = 	snop  }
0x24: {  	[tilespmem:s24], [sflag:$0x1] =	stream.indirect.gather [hbm4b:s3+s8], $0x10, s23, s8, $0xb8;
	[tilespmem:$0x6C40] =	vst v63  }
0x25: {  	_ = 	snop  }
0x26: {  	[tilespmem:s26], [sflag:$0x1] =	stream.indirect.gather [hbm4b:s3+s8], $0x10, s25, s8, $0xb8;
	[tilespmem:$0x6C40] =	vst v63  }
0x27: {  	_ = 	snop  }
0x28: {  	[tilespmem:s29], [sflag:$0x1] =	stream.indirect.gather [hbm4b:s3+s8], $0x10, s28, s8, $0xb8;
	[tilespmem:$0x6C40] =	vst v63  }
0x29: {  	_ = 	snop  }
0x2a: {  	[tilespmem:s31], [sflag:$0x1] =	stream.indirect.gather [hbm4b:s3+s8], $0x10, s30, s8, $0xb8;
	[tilespmem:$0x6C40] =	vst v63  }
0x2b: {  	_ = 	snop  }
0x2c: {  	[tilespmem:s9], [sflag:$0x1] =	stream.indirect.gather [hbm4b:s3+s1], $0x10, s0, s1, $0xb8;
	[tilespmem:$0x6C40] =	vst v63  }
0x2d: {  	_ =	swait.ge [sflag:s10], $0x800  }
0x2e: {  	[sflag:s10] =	ssyncset.done $0x0  }
0x2f: {  	[sflag:s10] =	ssyncadd.s32 $0xFFFFF800  }
0x30: {  	_ =	swait.ge [sflag:s10], $0x800  }
0x31: {  	[sflag:s10] =	ssyncset.done $0x0  }
0x32: {  	[sflag:s10] =	ssyncadd.s32 $0xFFFFF800  }
0x33: {  	_ =	swait.ge [sflag:s10], $0x800  }
0x34: {  	[sflag:s10] =	ssyncset.done $0x0  }
0x35: {  	[sflag:s10] =	ssyncadd.s32 $0xFFFFF800  }
0x36: {  	_ =	swait.ge [sflag:s10], $0x800  }
0x37: {  	[sflag:s10] =	ssyncset.done $0x0  }
0x38: {  	[sflag:s10] =	ssyncadd.s32 $0xFFFFF800  }
0x39: {  	_ =	swait.ge [sflag:s10], $0x800  }
0x3a: {  	[sflag:s10] =	ssyncset.done $0x0  }
0x3b: {  	[sflag:s10] =	ssyncadd.s32 $0xFFFFF800  }
0x3c: {  	_ =	swait.ge [sflag:s10], $0x800  }
0x3d: {  	[sflag:s10] =	ssyncset.done $0x0  }
0x3e: {  	[sflag:s10] =	ssyncadd.s32 $0xFFFFF800  }
0x3f: {  	_ =	swait.ge [sflag:s10], $0x800  }
0x40: {  	[sflag:s10] =	ssyncset.done $0x0  }
0x41: {  	[sflag:s10] =	ssyncadd.s32 $0xFFFFF800  }
0x42: {  	_ =	swait.ge [sflag:s10], $0x800  }
0x43: {  	[sflag:s10] =	ssyncset.done $0x0  }
0x44: {  	[sflag:s10] =	ssyncadd.s32 $0xFFFFF800  }
0x45: {  	_ =	swait.ge [sflag:s10], $0x800  }
0x46: {  	[sflag:s10] =	ssyncset.done $0x0  }
0x47: {  	[sflag:s10] =	ssyncadd.s32 $0xFFFFF800  }
0x48: {  	_ =	swait.ge [sflag:s10], $0x800  }
0x49: {  	[sflag:s10] =	ssyncset.done $0x0  }
0x4a: {  	[sflag:s10] =	ssyncadd.s32 $0xFFFFF800  }
0x4b: {  	_ =	swait.ge [sflag:s10], $0x800  }
0x4c: {  	[sflag:s10] =	ssyncset.done $0x0  }
0x4d: {  	[sflag:s10] =	ssyncadd.s32 $0xFFFFF800  }
0x4e: {  	_ =	swait.ge [sflag:s10], $0x800  }
0x4f: {  	[sflag:s10] =	ssyncset.done $0x0  }
0x50: {  	[sflag:s10] =	ssyncadd.s32 $0xFFFFF800  }
0x51: {  	_ =	swait.ge [sflag:s10], $0x400  }
0x52: {  	[sflag:s10] =	ssyncset.done $0x0  }
0x53: {  	s13 =	simm.s32 $0x7D0;
	[sflag:s10] =	ssyncadd.s32 $0xFFFFFC00  }
0x54: {  	v0 =	vld [tilespmem:s13+$0xFFFFFE80]  }
0x55: {  	s14 =	simm.s32 $0x0;
	s15 =	simm.s32 $0x40;
	v1 =	vld [tilespmem:s13+$0xFFFFFE70]  }
.LBB2_2:
0x56: {  	p0 =	sne.s32 s15, $0x7C0  }
0x57: {  	v2 =	vld [tilespmem:s13+$0xFFFFFE90];
	_ =	sdelay $0x1  }
0x58: {  	v3 =	vld [tilespmem:s13+$0xFFFFFEA0]  }
0x59: {  	v0 =	vadd.f32 v0, v1  }
0x5a: {  	v1 =	vld [tilespmem:s13+$0xFFFFFEB0]  }
0x5b: {  	v0 =	vadd.f32 v2, v0  }
0x5c: {  	v2 =	vld [tilespmem:s13+$0xFFFFFEC0]  }
0x5d: {  	v0 =	vadd.f32 v3, v0  }
0x5e: {  	v3 =	vld [tilespmem:s13+$0xFFFFFED0]  }
0x5f: {  	v0 =	vadd.f32 v1, v0  }
0x60: {  	v1 =	vld [tilespmem:s13+$0xFFFFFEE0]  }
0x61: {  	v0 =	vadd.f32 v2, v0  }
0x62: {  	v2 =	vld [tilespmem:s13+$0xFFFFFEF0]  }
0x63: {  	v0 =	vadd.f32 v3, v0  }
0x64: {  	v3 =	vld [tilespmem:s13+$0xFFFFFF00]  }
0x65: {  	v0 =	vadd.f32 v1, v0  }
0x66: {  	v1 =	vld [tilespmem:s13+$0xFFFFFF10]  }
0x67: {  	v0 =	vadd.f32 v2, v0  }
0x68: {  	v2 =	vld [tilespmem:s13+$0xFFFFFF20]  }
0x69: {  	v0 =	vadd.f32 v3, v0  }
0x6a: {  	v3 =	vld [tilespmem:s13+$0xFFFFFF30]  }
0x6b: {  	v0 =	vadd.f32 v1, v0  }
0x6c: {  	v1 =	vld [tilespmem:s13+$0xFFFFFF40]  }
0x6d: {  	v0 =	vadd.f32 v2, v0  }
0x6e: {  	v2 =	vld [tilespmem:s13+$0xFFFFFF50]  }
0x6f: {  	v0 =	vadd.f32 v3, v0  }
0x70: {  	v3 =	vld [tilespmem:s13+$0xFFFFFF60]  }
0x71: {  	v0 =	vadd.f32 v1, v0  }
0x72: {  	v1 =	vld [tilespmem:s13+$0xFFFFFF70]  }
0x73: {  	v0 =	vadd.f32 v2, v0  }
0x74: {  	v2 =	vld [tilespmem:s13+$0xFFFFFF80]  }
0x75: {  	v0 =	vadd.f32 v3, v0  }
0x76: {  	v3 =	vld [tilespmem:s13+$0xFFFFFF90]  }
0x77: {  	v0 =	vadd.f32 v1, v0  }
0x78: {  	v1 =	vld [tilespmem:s13+$0xFFFFFFA0]  }
0x79: {  	v0 =	vadd.f32 v2, v0  }
0x7a: {  	v2 =	vld [tilespmem:s13+$0xFFFFFFB0]  }
0x7b: {  	v0 =	vadd.f32 v3, v0  }
0x7c: {  	v3 =	vld [tilespmem:s13+$0xFFFFFFC0]  }
0x7d: {  	v0 =	vadd.f32 v1, v0  }
0x7e: {  	v1 =	vld [tilespmem:s13+$0xFFFFFFD0]  }
0x7f: {  	v0 =	vadd.f32 v2, v0  }
0x80: {  	v2 =	vld [tilespmem:s13+$0xFFFFFFE0]  }
0x81: {  	v0 =	vadd.f32 v3, v0  }
0x82: {  	v3 =	vld [tilespmem:s13+$0xFFFFFFF0]  }
0x83: {  	v0 =	vadd.f32 v1, v0  }
0x84: {  	v1 =	vld [tilespmem:s13+$0x0]  }
0x85: {  	v0 =	vadd.f32 v2, v0  }
0x86: {  	v2 =	vld [tilespmem:s13+$0x10]  }
0x87: {  	v0 =	vadd.f32 v3, v0  }
0x88: {  	v3 =	vld [tilespmem:s13+$0x20]  }
0x89: {  	v0 =	vadd.f32 v1, v0  }
0x8a: {  	v1 =	vld [tilespmem:s13+$0x30]  }
0x8b: {  	v0 =	vadd.f32 v2, v0  }
0x8c: {  	v2 =	vld [tilespmem:s13+$0x40]  }
0x8d: {  	v0 =	vadd.f32 v3, v0  }
0x8e: {  	v3 =	vld [tilespmem:s13+$0x50]  }
0x8f: {  	v0 =	vadd.f32 v1, v0  }
0x90: {  	v1 =	vld [tilespmem:s13+$0x60]  }
0x91: {  	v0 =	vadd.f32 v2, v0  }
0x92: {  	v2 =	vld [tilespmem:s13+$0x70]  }
0x93: {  	v0 =	vadd.f32 v3, v0  }
0x94: {  	v3 =	vld [tilespmem:s13+$0x80]  }
0x95: {  	v0 =	vadd.f32 v1, v0  }
0x96: {  	v1 =	vld [tilespmem:s13+$0x90]  }
0x97: {  	v0 =	vadd.f32 v2, v0  }
0x98: {  	v2 =	vld [tilespmem:s13+$0xA0]  }
0x99: {  	v0 =	vadd.f32 v3, v0  }
0x9a: {  	v3 =	vld [tilespmem:s13+$0xB0]  }
0x9b: {  	v0 =	vadd.f32 v1, v0  }
0x9c: {  	v1 =	vld [tilespmem:s13+$0xC0]  }
0x9d: {  	v0 =	vadd.f32 v2, v0  }
0x9e: {  	v2 =	vld [tilespmem:s13+$0xD0]  }
0x9f: {  	v0 =	vadd.f32 v3, v0  }
0xa0: {  	v3 =	vld [tilespmem:s13+$0xE0]  }
0xa1: {  	v0 =	vadd.f32 v1, v0  }
0xa2: {  	v1 =	vld [tilespmem:s13+$0xF0]  }
0xa3: {  	v0 =	vadd.f32 v2, v0  }
0xa4: {  	v2 =	vld [tilespmem:s13+$0x100]  }
0xa5: {  	v0 =	vadd.f32 v3, v0  }
0xa6: {  	v3 =	vld [tilespmem:s13+$0x110]  }
0xa7: {  	v0 =	vadd.f32 v1, v0  }
0xa8: {  	v1 =	vld [tilespmem:s13+$0x120]  }
0xa9: {  	v0 =	vadd.f32 v2, v0  }
0xaa: {  	v2 =	vld [tilespmem:s13+$0x130]  }
0xab: {  	v0 =	vadd.f32 v3, v0  }
0xac: {  	v3 =	vld [tilespmem:s13+$0x140]  }
0xad: {  	v0 =	vadd.f32 v1, v0  }
0xae: {  	v1 =	vld [tilespmem:s13+$0x150]  }
0xaf: {  	v0 =	vadd.f32 v2, v0  }
0xb0: {  	v2 =	vld [tilespmem:s13+$0x160]  }
0xb1: {  	v0 =	vadd.f32 v3, v0  }
0xb2: {  	v3 =	vld [tilespmem:s13+$0x170]  }
0xb3: {  	v0 =	vadd.f32 v1, v0  }
0xb4: {  	v1 =	vld [tilespmem:s13+$0x180]  }
0xb5: {  	v0 =	vadd.f32 v2, v0;
	_ =	sdelay $0x1  }
0xb6: {  	v0 =	vadd.f32 v3, v0;
	_ =	sdelay $0x1  }
.Ltmp0:
0xb7: {  	v0 =	vadd.f32 v1, v0;
	(pc) =	sbr.rel @p0 .LBB2_2-.Ltmp0, $4  }
0xb8: {  	s16 =	sshra.s32 s14, $0x2;
	s14 =	smov.u32 s15  }
0xb9: {  	s13 =	sadd.s32 $0x320, s13;
	[tilespmem:s16+$0x6A40] =	vst v0  }
0xba: {  	v0 =	vld [tilespmem:s13+$0xFFFFFE80]  }
0xbb: {  	s15 =	sadd.s32 $0x40, s15;
	v1 =	vld [tilespmem:s13+$0xFFFFFE70]  }
0xbc: {  	_ = 	snop  }
0xbd: {  	v2 =	vld [tilespmem:s13+$0xFFFFFE90];
	_ =	sdelay $0x1  }
0xbe: {  	v3 =	vld [tilespmem:s13+$0xFFFFFEA0]  }
0xbf: {  	v0 =	vadd.f32 v0, v1  }
0xc0: {  	v18 =	vld [tilespmem:s13+$0xFFFFFEB0]  }
0xc1: {  	v0 =	vadd.f32 v2, v0  }
0xc2: {  	v19 =	vld [tilespmem:s13+$0xFFFFFEC0]  }
0xc3: {  	v0 =	vadd.f32 v3, v0  }
0xc4: {  	v20 =	vld [tilespmem:s13+$0xFFFFFED0]  }
0xc5: {  	v0 =	vadd.f32 v18, v0  }
0xc6: {  	v21 =	vld [tilespmem:s13+$0xFFFFFEE0]  }
0xc7: {  	v0 =	vadd.f32 v19, v0  }
0xc8: {  	v22 =	vld [tilespmem:s13+$0xFFFFFEF0]  }
0xc9: {  	v0 =	vadd.f32 v20, v0  }
0xca: {  	v23 =	vld [tilespmem:s13+$0xFFFFFF00]  }
0xcb: {  	v0 =	vadd.f32 v21, v0  }
0xcc: {  	v24 =	vld [tilespmem:s13+$0xFFFFFF10]  }
0xcd: {  	v0 =	vadd.f32 v22, v0  }
0xce: {  	v25 =	vld [tilespmem:s13+$0xFFFFFF20]  }
0xcf: {  	v0 =	vadd.f32 v23, v0  }
0xd0: {  	v26 =	vld [tilespmem:s13+$0xFFFFFF30]  }
0xd1: {  	v0 =	vadd.f32 v24, v0  }
0xd2: {  	v27 =	vld [tilespmem:s13+$0xFFFFFF40]  }
0xd3: {  	v0 =	vadd.f32 v25, v0  }
0xd4: {  	v28 =	vld [tilespmem:s13+$0xFFFFFF50]  }
0xd5: {  	v0 =	vadd.f32 v26, v0  }
0xd6: {  	v29 =	vld [tilespmem:s13+$0xFFFFFF60]  }
0xd7: {  	v0 =	vadd.f32 v27, v0  }
0xd8: {  	v30 =	vld [tilespmem:s13+$0xFFFFFF70]  }
0xd9: {  	v0 =	vadd.f32 v28, v0  }
0xda: {  	v31 =	vld [tilespmem:s13+$0xFFFFFF80]  }
0xdb: {  	v0 =	vadd.f32 v29, v0  }
0xdc: {  	v32 =	vld [tilespmem:s13+$0xFFFFFF90]  }
0xdd: {  	v0 =	vadd.f32 v30, v0  }
0xde: {  	v33 =	vld [tilespmem:s13+$0xFFFFFFA0]  }
0xdf: {  	v0 =	vadd.f32 v31, v0  }
0xe0: {  	v34 =	vld [tilespmem:s13+$0xFFFFFFB0]  }
0xe1: {  	v0 =	vadd.f32 v32, v0  }
0xe2: {  	v35 =	vld [tilespmem:s13+$0xFFFFFFC0]  }
0xe3: {  	v0 =	vadd.f32 v33, v0  }
0xe4: {  	v36 =	vld [tilespmem:s13+$0xFFFFFFD0]  }
0xe5: {  	v0 =	vadd.f32 v34, v0  }
0xe6: {  	v37 =	vld [tilespmem:s13+$0xFFFFFFE0]  }
0xe7: {  	v0 =	vadd.f32 v35, v0  }
0xe8: {  	v38 =	vld [tilespmem:s13+$0xFFFFFFF0]  }
0xe9: {  	v0 =	vadd.f32 v36, v0  }
0xea: {  	v39 =	vld [tilespmem:s13+$0x0]  }
0xeb: {  	v0 =	vadd.f32 v37, v0  }
0xec: {  	v40 =	vld [tilespmem:s13+$0x10]  }
0xed: {  	v0 =	vadd.f32 v38, v0  }
0xee: {  	v41 =	vld [tilespmem:s13+$0x20]  }
0xef: {  	v0 =	vadd.f32 v39, v0  }
0xf0: {  	v42 =	vld [tilespmem:s13+$0x30]  }
0xf1: {  	v0 =	vadd.f32 v40, v0  }
0xf2: {  	v43 =	vld [tilespmem:s13+$0x40]  }
0xf3: {  	v0 =	vadd.f32 v41, v0  }
0xf4: {  	v44 =	vld [tilespmem:s13+$0x50]  }
0xf5: {  	v0 =	vadd.f32 v42, v0  }
0xf6: {  	v45 =	vld [tilespmem:s13+$0x60]  }
0xf7: {  	v0 =	vadd.f32 v43, v0  }
0xf8: {  	v46 =	vld [tilespmem:s13+$0x70]  }
0xf9: {  	v0 =	vadd.f32 v44, v0  }
0xfa: {  	v47 =	vld [tilespmem:s13+$0x80]  }
0xfb: {  	v0 =	vadd.f32 v45, v0  }
0xfc: {  	v48 =	vld [tilespmem:s13+$0x90]  }
0xfd: {  	v0 =	vadd.f32 v46, v0  }
0xfe: {  	v49 =	vld [tilespmem:s13+$0xA0]  }
0xff: {  	v0 =	vadd.f32 v47, v0  }
0x100: {  	v50 =	vld [tilespmem:s13+$0xB0]  }
0x101: {  	v0 =	vadd.f32 v48, v0  }
0x102: {  	v51 =	vld [tilespmem:s13+$0xC0]  }
0x103: {  	v0 =	vadd.f32 v49, v0  }
0x104: {  	v52 =	vld [tilespmem:s13+$0xD0]  }
0x105: {  	v0 =	vadd.f32 v50, v0  }
0x106: {  	v53 =	vld [tilespmem:s13+$0xE0]  }
0x107: {  	v0 =	vadd.f32 v51, v0  }
0x108: {  	v54 =	vld [tilespmem:s13+$0xF0]  }
0x109: {  	v0 =	vadd.f32 v52, v0  }
0x10a: {  	v55 =	vld [tilespmem:s13+$0x100]  }
0x10b: {  	v0 =	vadd.f32 v53, v0  }
0x10c: {  	v56 =	vld [tilespmem:s13+$0x110]  }
0x10d: {  	v0 =	vadd.f32 v54, v0  }
0x10e: {  	v57 =	vld [tilespmem:s13+$0x120]  }
0x10f: {  	v0 =	vadd.f32 v55, v0  }
0x110: {  	v58 =	vld [tilespmem:s13+$0x130]  }
0x111: {  	v0 =	vadd.f32 v56, v0  }
0x112: {  	v59 =	vld [tilespmem:s13+$0x140]  }
0x113: {  	v0 =	vadd.f32 v57, v0  }
0x114: {  	v60 =	vld [tilespmem:s13+$0x150]  }
0x115: {  	v0 =	vadd.f32 v58, v0  }
0x116: {  	v61 =	vld [tilespmem:s13+$0x160]  }
0x117: {  	v0 =	vadd.f32 v59, v0  }
0x118: {  	v62 =	vld [tilespmem:s13+$0x170]  }
0x119: {  	v0 =	vadd.f32 v60, v0  }
0x11a: {  	v63 =	vld [tilespmem:s13+$0x180]  }
0x11b: {  	v0 =	vadd.f32 v61, v0;
	_ =	sdelay $0x1  }
0x11c: {  	v0 =	vadd.f32 v62, v0;
	_ =	sdelay $0x1  }
0x11d: {  	s12 =	sadd.s32 $0x1, s12;
	v0 =	vadd.f32 v63, v0  }
0x11e: {  	s16 =	sshra.s32 s14, $0x2;
	p0 =	sne.s32 s12, s6  }
.Ltmp1:
0x11f: {  	[tilespmem:s16+$0x6A40] =	vst v0;
	(pc) =	sbr.rel @p0 .LBB2_1-.Ltmp1, $4  }
0x120: {  	[hbm4b:s5+s2] =	stream.linear.scatter [tilespmem:s11], [sflag:$0x2], $0x200, $0x38;
	[tilespmem:$0x6C40] =	vst v63  }
0x121: {  	_ =	swait.ge [sflag:s7], $0x200  }
0x122: {  	[sflag:s7] =	ssyncset.done $0x0  }
0x123: {  	[sflag:s7] =	ssyncadd.s32 $0xFFFFFE00  }
0x124: {  	_ =	sfence.sel $0x180000  }
0x125: {  	[bflag:$0x0] =	sbarrier.arrive $0xFFFF  }
0x126: {  	_ =	strace $0x90000047  }
0x127: {  	s0 =	stileid.u32;
	[bflag:$0x2] =	sbarrier.arrive $0xFFFF  }
0x128: {  	p0 =	sne.s32 s0, $0x0;
	s0 =	rddreg [dreg:$0x1]  }
0x129: {  	s0 =	sadd.s32 @!p0 $0x100000, s0  }
0x12a: {  	[sflag:s0] =	ssyncadd.tile.s32 @!p0 $0x1;
	_ =	shalt  }
.Lfunc_end2:
_tile_overlayer_lowered:
.L_overlay_start_2:
0x12b: {  	(tag) =	ssettag $0x2  }
0x12c: {  	s0 =	rddreg [dreg:$0x0];
	s2 =	stileid.u32  }
0x12d: {  	s1 =	rddreg [dreg:$0x1];
	p0 =	sne.s32 s2, $0x0  }
0x12e: {  	s3 =	rddreg [dreg:$0x2];
	[bflag:$0x3] =	sbarrier.arrive $0xFFFF;
	s2 =	simm.s32 @!p0 $0x1C02  }
0x12f: {  	[timem:s3], [sflag:s2] =	dma.local @!p0 [hbm:s0], s1  }
0x130: {  	s0 =	simm.s32 @!p0 $0x2  }
0x131: {  	_ =	swait.ge @!p0 [sflag:s0], s1  }
0x132: {  	s1 =	ssub.s32 @!p0 $0x0, s1;
	[sflag:s0] =	ssyncset.done @!p0 $0x0  }
0x133: {  	[sflag:s0] =	ssyncadd.s32 @!p0 s1  }
0x134: {  	[bflag:$0x3] =	sbarrier.arrive $0xFFFF  }
0x135: {  	_ =	shalt  }

</sc_bundles>
